<compile_context>
chip_gen: v7x
topology: tpu7x:2x2x1
jax: 0.10.2.dev20260603
libtpu: 0.0.44.dev20260713+nightly
codegen_flags: <defaults>
</compile_context>

<pallas_src>
import functools

import jax
import jax.numpy as jnp
from jax import lax
from jax.experimental import pallas as pl
from jax.experimental.pallas import tpu as pltpu
from jax.experimental.pallas import tpu_sc as plsc

NUM_EMBEDDINGS = 100000
DIM = 128
BATCH = 4096
HIST = 50

_info = plsc.get_sparse_core_info()
NC, NS = _info.num_cores, _info.num_subcores
NW = NC * NS
ROWS_PER_W = BATCH // NW
NPAIR = HIST // 2


@functools.partial(
    pl.kernel,
    mesh=plsc.VectorSubcoreMesh(core_axis_name="c", subcore_axis_name="s"),
    out_type=jax.ShapeDtypeStruct((HIST, BATCH, DIM), jnp.float32),
    scratch_types=[
        pltpu.VMEM((HIST, ROWS_PER_W), jnp.int32),
        pltpu.VMEM((2, ROWS_PER_W, DIM), jnp.float32),
        pltpu.VMEM((2, ROWS_PER_W, DIM), jnp.float32),
        pltpu.VMEM((2, ROWS_PER_W, DIM), jnp.float32),
        pltpu.SemaphoreType.DMA,
        pltpu.SemaphoreType.DMA,
        pltpu.SemaphoreType.DMA,
        pltpu.SemaphoreType.DMA,
        pltpu.SemaphoreType.DMA,
        pltpu.SemaphoreType.DMA,
        pltpu.SemaphoreType.DMA,
    ],
)
def _sc_gather(
    tab_hbm, idx_hbm, out_hbm, idx_v,
    r0, r1, r2, g0, g1, g2, w0, w1, w2, isem,
):
    wid = lax.axis_index("s") * NC + lax.axis_index("c")
    base = wid * ROWS_PER_W
    rows = (r0, r1, r2)
    gsem = (g0, g1, g2)
    wsem = (w0, w1, w2)
    pltpu.sync_copy(idx_hbm.at[pl.ds(0, 8), pl.ds(base, ROWS_PER_W)],
                    idx_v.at[pl.ds(0, 8)])
    pltpu.async_copy(idx_hbm.at[pl.ds(8, HIST - 8), pl.ds(base, ROWS_PER_W)],
                     idx_v.at[pl.ds(8, HIST - 8)], isem)

    def start_g(p, b):
        for j in (0, 1):
            pltpu.async_copy(
                tab_hbm.at[idx_v.at[2 * p + j]], rows[b].at[j], gsem[b]
            )

    def wait_g(p, b):
        for j in (0, 1):
            pltpu.make_async_copy(
                tab_hbm.at[idx_v.at[2 * p + j]], rows[b].at[j], gsem[b]
            ).wait()

    def start_w(p, b):
        pltpu.async_copy(
            rows[b], out_hbm.at[pl.ds(2 * p, 2), pl.ds(base, ROWS_PER_W)], wsem[b]
        )

    def wait_w(p, b):
        pltpu.make_async_copy(
            rows[b], out_hbm.at[pl.ds(2 * p, 2), pl.ds(base, ROWS_PER_W)], wsem[b]
        ).wait()

    start_g(0, 0)
    pltpu.make_async_copy(
        idx_hbm.at[pl.ds(8, HIST - 8), pl.ds(base, ROWS_PER_W)],
        idx_v.at[pl.ds(8, HIST - 8)], isem,
    ).wait()

    def body(o, carry):
        for k in range(3):
            p = 3 * o + k
            b = k
            nb = (k + 1) % 3

            @pl.when(p >= 2)
            def _():
                wait_w(p - 2, nb)

            start_g(p + 1, nb)
            wait_g(p, b)
            start_w(p, b)
        return carry

    lax.fori_loop(0, (NPAIR - 1) // 3, body, 0)
    p = NPAIR - 1
    wait_g(p, 0)
    start_w(p, 0)
    for q in (NPAIR - 3, NPAIR - 2, NPAIR - 1):
        wait_w(q, q % 3)


def kernel(x, table):
    xt = jnp.swapaxes(x.astype(jnp.int32), 0, 1)
    out = _sc_gather(table, xt)
    return jnp.swapaxes(out, 0, 1)

# --- scband reference (transcript-rebuilt; emitter-appended) ---
"""Pipeline reference for scband-language-embedding-52802327937412 (READ-ONLY COPY).

The authoritative reference and input builder live on the scoring server;
editing this copy changes nothing except your own understanding.
"""

import jax, jax.numpy as jnp
import numpy as np

NUM_EMBEDDINGS = 100000
EMBEDDING_DIM = 128
BATCH = 4096
HIST = 50

def setup_inputs(seed: int = 0) -> dict:
    key = jax.random.key(seed)
    k_idx, k_tab = jax.random.split(key)
    x = jax.random.randint(k_idx, (BATCH, HIST), 0, NUM_EMBEDDINGS, dtype=jnp.int64) if jax.config.jax_enable_x64 else jax.random.randint(k_idx, (BATCH, HIST), 0, NUM_EMBEDDINGS, dtype=jnp.int32)
    table = jax.random.normal(k_tab, (NUM_EMBEDDINGS, EMBEDDING_DIM), dtype=jnp.float32)
    return {"x": x, "table": table}

def reference(x, table):
    # LanguageEmbedding.forward: return self.embedding(x)
    return jnp.take(table, x, axis=0)

if __name__ == "__main__":
    import jax
    _d = setup_inputs()
    print(jax.jit(kernel)(*tuple(_d.values())))

</pallas_src>

<mosaic_0001>
#map = affine_map<(d0, d1) -> (0, 0)>
#map1 = affine_map<(d0, d1) -> (0, 0, 0)>
module attributes {stable_mosaic.version = 14 : i64} {
  func.func @_sc_gather(%arg0: i32, %arg1: i32, %arg2: memref<100000x128xf32, #tpu.memory_space<hbm>>, %arg3: memref<50x4096xi32, #tpu.memory_space<hbm>>, %arg4: memref<50x4096x128xf32, #tpu.memory_space<hbm>>, %arg5: memref<50x128xi32, #tpu.memory_space<vmem>>, %arg6: memref<2x128x128xf32, #tpu.memory_space<vmem>>, %arg7: memref<2x128x128xf32, #tpu.memory_space<vmem>>, %arg8: memref<2x128x128xf32, #tpu.memory_space<vmem>>, %arg9: memref<!tpu.dma_semaphore, #tpu.memory_space<semaphore_mem>>, %arg10: memref<!tpu.dma_semaphore, #tpu.memory_space<semaphore_mem>>, %arg11: memref<!tpu.dma_semaphore, #tpu.memory_space<semaphore_mem>>, %arg12: memref<!tpu.dma_semaphore, #tpu.memory_space<semaphore_mem>>, %arg13: memref<!tpu.dma_semaphore, #tpu.memory_space<semaphore_mem>>, %arg14: memref<!tpu.dma_semaphore, #tpu.memory_space<semaphore_mem>>, %arg15: memref<!tpu.dma_semaphore, #tpu.memory_space<semaphore_mem>>) attributes {dimension_semantics = [#tpu.dimension_semantics<core_parallel>, #tpu.dimension_semantics<subcore_parallel>], iteration_bounds = array<i64: 2, 16>, scalar_prefetch = 0 : i64, scratch_operands = 11 : i64, tpu.core_type = #tpu.core_type<sc_vector_subcore>, window_params = [{transform_indices = #map}, {transform_indices = #map}, {transform_indices = #map1}]} {
    %mul3A = arith.constant 2 : i32
    %mul3A_0 = arith.muli %arg1, %mul3A : i32
    %add3A = arith.addi %mul3A_0, %arg0 : i32
    %mul3A_1 = arith.constant 128 : i32
    %mul3A_2 = arith.muli %add3A, %mul3A_1 : i32
    "tpu.region"() ({
      %run_scoped3A = tpu.sem_alloc : memref<!tpu.dma_semaphore, #tpu.memory_space<semaphore_mem>>
      %dma_start3A_98 = arith.constant 0 : i32
      %dma_start3A_99 = arith.constant 0 : i32
      %dma_start3A_100 = tpu.memref_slice %arg5[%dma_start3A_98, %dma_start3A_99] : memref<50x128xi32, #tpu.memory_space<vmem>> -> memref<8x128xi32, #tpu.memory_space<vmem>>
      %dma_start3A_101 = arith.constant 0 : i32
      %dma_start3A_102 = tpu.memref_slice %arg3[%dma_start3A_101, %mul3A_2] : memref<50x4096xi32, #tpu.memory_space<hbm>> -> memref<8x128xi32, #tpu.memory_space<hbm>>
      %dma_start3A_103 = arith.constant 0 : i32
      %dma_start3A_104 = arith.constant 0 : i32
      %dma_start3A_105 = tpu.memref_slice %arg5[%dma_start3A_103, %dma_start3A_104] : memref<50x128xi32, #tpu.memory_space<vmem>> -> memref<8x128xi32, #tpu.memory_space<vmem>>
      %dma_start3A_106 = arith.constant 0 : i32
      %dma_start3A_107 = tpu.memref_slice %arg3[%dma_start3A_106, %mul3A_2] : memref<50x4096xi32, #tpu.memory_space<hbm>> -> memref<8x128xi32, #tpu.memory_space<hbm>>
      tpu.enqueue_dma source(%dma_start3A_107 : memref<8x128xi32, #tpu.memory_space<hbm>>) target(%dma_start3A_105 : memref<8x128xi32, #tpu.memory_space<vmem>>) target_semaphore(%run_scoped3A : memref<!tpu.dma_semaphore, #tpu.memory_space<semaphore_mem>>)
      %dma_wait3A_108 = arith.constant 0 : i32
      %dma_wait3A_109 = arith.constant 0 : i32
      %dma_wait3A_110 = tpu.memref_slice %arg5[%dma_wait3A_108, %dma_wait3A_109] : memref<50x128xi32, #tpu.memory_space<vmem>> -> memref<8x128xi32, #tpu.memory_space<vmem>>
      %dma_wait3A_111 = arith.constant 0 : i32
      %dma_wait3A_112 = tpu.memref_slice %arg3[%dma_wait3A_111, %mul3A_2] : memref<50x4096xi32, #tpu.memory_space<hbm>> -> memref<8x128xi32, #tpu.memory_space<hbm>>
      %dma_wait3A_113 = arith.constant 0 : i32
      %dma_wait3A_114 = arith.constant 0 : i32
      %dma_wait3A_115 = tpu.memref_slice %arg5[%dma_wait3A_113, %dma_wait3A_114] : memref<50x128xi32, #tpu.memory_space<vmem>> -> memref<8x128xi32, #tpu.memory_space<vmem>>
      %dma_wait3A_116 = arith.constant 0 : i32
      %dma_wait3A_117 = tpu.memref_slice %arg3[%dma_wait3A_116, %mul3A_2] : memref<50x4096xi32, #tpu.memory_space<hbm>> -> memref<8x128xi32, #tpu.memory_space<hbm>>
      tpu.wait_dma2 semaphore(%run_scoped3A : memref<!tpu.dma_semaphore, #tpu.memory_space<semaphore_mem>>) src(%dma_wait3A_117 : memref<8x128xi32, #tpu.memory_space<hbm>>) dst(%dma_wait3A_115 : memref<8x128xi32, #tpu.memory_space<vmem>>)
      tpu.yield
    }) : () -> ()
    %dma_start3A = arith.constant 8 : i32
    %dma_start3A_3 = arith.constant 0 : i32
    %dma_start3A_4 = tpu.memref_slice %arg5[%dma_start3A, %dma_start3A_3] : memref<50x128xi32, #tpu.memory_space<vmem>> -> memref<42x128xi32, #tpu.memory_space<vmem>>
    %dma_start3A_5 = arith.constant 8 : i32
    %dma_start3A_6 = tpu.memref_slice %arg3[%dma_start3A_5, %mul3A_2] : memref<50x4096xi32, #tpu.memory_space<hbm>> -> memref<42x128xi32, #tpu.memory_space<hbm>>
    %dma_start3A_7 = arith.constant 8 : i32
    %dma_start3A_8 = arith.constant 0 : i32
    %dma_start3A_9 = tpu.memref_slice %arg5[%dma_start3A_7, %dma_start3A_8] : memref<50x128xi32, #tpu.memory_space<vmem>> -> memref<42x128xi32, #tpu.memory_space<vmem>>
    %dma_start3A_10 = arith.constant 8 : i32
    %dma_start3A_11 = tpu.memref_slice %arg3[%dma_start3A_10, %mul3A_2] : memref<50x4096xi32, #tpu.memory_space<hbm>> -> memref<42x128xi32, #tpu.memory_space<hbm>>
    tpu.enqueue_dma source(%dma_start3A_11 : memref<42x128xi32, #tpu.memory_space<hbm>>) target(%dma_start3A_9 : memref<42x128xi32, #tpu.memory_space<vmem>>) target_semaphore(%arg15 : memref<!tpu.dma_semaphore, #tpu.memory_space<semaphore_mem>>)
    %dma_start3A_12 = arith.constant 0 : i32
    %dma_start3A_13 = arith.constant 0 : i32
    %dma_start3A_14 = arith.constant 0 : i32
    %dma_start3A_15 = arith.constant 0 : i32
    %dma_start3A_16 = tpu.memref_slice %arg6[%dma_start3A_13, %dma_start3A_14, %dma_start3A_15] : memref<2x128x128xf32, #tpu.memory_space<vmem>> -> memref<1x128x128xf32, #tpu.memory_space<vmem>>
    %dma_start3A_17 = tpu.memref_squeeze %dma_start3A_16 : memref<1x128x128xf32, #tpu.memory_space<vmem>> -> memref<128x128xf32, #tpu.memory_space<vmem>>
    %dma_start3A_18 = arith.constant 0 : i32
    %dma_start3A_19 = tpu.memref_slice %arg5[%dma_start3A_12, %dma_start3A_18] : memref<50x128xi32, #tpu.memory_space<vmem>> -> memref<1x128xi32, #tpu.memory_space<vmem>>
    %dma_start3A_20 = tpu.memref_squeeze %dma_start3A_19 : memref<1x128xi32, #tpu.memory_space<vmem>> -> memref<128xi32, #tpu.memory_space<vmem>>
    %dma_start3A_21 = arith.constant 0 : i32
    %dma_start3A_22 = arith.constant 0 : i32
    %dma_start3A_23 = tpu.memref_slice %arg2[%dma_start3A_21, %dma_start3A_22] : memref<100000x128xf32, #tpu.memory_space<hbm>> -> memref<100000x128xf32, #tpu.memory_space<hbm>>
    tpu.enqueue_indirect_dma source(%dma_start3A_23 : memref<100000x128xf32, #tpu.memory_space<hbm>>) target(%dma_start3A_17 : memref<128x128xf32, #tpu.memory_space<vmem>>) offsets(%dma_start3A_20 : memref<128xi32, #tpu.memory_space<vmem>>) semaphore(%arg9 : memref<!tpu.dma_semaphore, #tpu.memory_space<semaphore_mem>>)
    %dma_start3A_24 = arith.constant 1 : i32
    %dma_start3A_25 = arith.constant 1 : i32
    %dma_start3A_26 = arith.constant 0 : i32
    %dma_start3A_27 = arith.constant 0 : i32
    %dma_start3A_28 = tpu.memref_slice %arg6[%dma_start3A_25, %dma_start3A_26, %dma_start3A_27] : memref<2x128x128xf32, #tpu.memory_space<vmem>> -> memref<1x128x128xf32, #tpu.memory_space<vmem>>
    %dma_start3A_29 = tpu.memref_squeeze %dma_start3A_28 : memref<1x128x128xf32, #tpu.memory_space<vmem>> -> memref<128x128xf32, #tpu.memory_space<vmem>>
    %dma_start3A_30 = arith.constant 0 : i32
    %dma_start3A_31 = tpu.memref_slice %arg5[%dma_start3A_24, %dma_start3A_30] : memref<50x128xi32, #tpu.memory_space<vmem>> -> memref<1x128xi32, #tpu.memory_space<vmem>>
    %dma_start3A_32 = tpu.memref_squeeze %dma_start3A_31 : memref<1x128xi32, #tpu.memory_space<vmem>> -> memref<128xi32, #tpu.memory_space<vmem>>
    %dma_start3A_33 = arith.constant 0 : i32
    %dma_start3A_34 = arith.constant 0 : i32
    %dma_start3A_35 = tpu.memref_slice %arg2[%dma_start3A_33, %dma_start3A_34] : memref<100000x128xf32, #tpu.memory_space<hbm>> -> memref<100000x128xf32, #tpu.memory_space<hbm>>
    tpu.enqueue_indirect_dma source(%dma_start3A_35 : memref<100000x128xf32, #tpu.memory_space<hbm>>) target(%dma_start3A_29 : memref<128x128xf32, #tpu.memory_space<vmem>>) offsets(%dma_start3A_32 : memref<128xi32, #tpu.memory_space<vmem>>) semaphore(%arg9 : memref<!tpu.dma_semaphore, #tpu.memory_space<semaphore_mem>>)
    %dma_wait3A = arith.constant 8 : i32
    %dma_wait3A_36 = arith.constant 0 : i32
    %dma_wait3A_37 = tpu.memref_slice %arg5[%dma_wait3A, %dma_wait3A_36] : memref<50x128xi32, #tpu.memory_space<vmem>> -> memref<42x128xi32, #tpu.memory_space<vmem>>
    %dma_wait3A_38 = arith.constant 8 : i32
    %dma_wait3A_39 = tpu.memref_slice %arg3[%dma_wait3A_38, %mul3A_2] : memref<50x4096xi32, #tpu.memory_space<hbm>> -> memref<42x128xi32, #tpu.memory_space<hbm>>
    %dma_wait3A_40 = arith.constant 8 : i32
    %dma_wait3A_41 = arith.constant 0 : i32
    %dma_wait3A_42 = tpu.memref_slice %arg5[%dma_wait3A_40, %dma_wait3A_41] : memref<50x128xi32, #tpu.memory_space<vmem>> -> memref<42x128xi32, #tpu.memory_space<vmem>>
    %dma_wait3A_43 = arith.constant 8 : i32
    %dma_wait3A_44 = tpu.memref_slice %arg3[%dma_wait3A_43, %mul3A_2] : memref<50x4096xi32, #tpu.memory_space<hbm>> -> memref<42x128xi32, #tpu.memory_space<hbm>>
    tpu.wait_dma2 semaphore(%arg15 : memref<!tpu.dma_semaphore, #tpu.memory_space<semaphore_mem>>) src(%dma_wait3A_44 : memref<42x128xi32, #tpu.memory_space<hbm>>) dst(%dma_wait3A_42 : memref<42x128xi32, #tpu.memory_space<vmem>>)
    %scan3A = arith.constant 0 : i32
    %scan3A_45 = arith.constant 0 : i32
    %scan3A_46 = arith.constant 8 : i32
    %scan3A_47 = arith.addi %scan3A_45, %scan3A_46 : i32
    %scan3A_48 = arith.constant 1 : i32
    scf.for %scan3A_98 = %scan3A_45 to %scan3A_47 step %scan3A_48  : i32 {
      %mul3A_99 = arith.constant 3 : i32
      %mul3A_100 = arith.muli %mul3A_99, %scan3A_98 : i32
      %add3A_101 = arith.constant 0 : i32
      %add3A_102 = arith.addi %mul3A_100, %add3A_101 : i32
      %ge3A = arith.constant 2 : i32
      %ge3A_103 = arith.cmpi sge, %add3A_102, %ge3A : i32
      %convert_element_type3A = arith.extui %ge3A_103 : i1 to i32
      %cond3A = arith.constant 0 : i32
      %cond3A_104 = arith.cmpi ne, %convert_element_type3A, %cond3A : i32
      scf.if %cond3A_104 {
        %sub3A = arith.constant 2 : i32
        %sub3A_327 = arith.subi %add3A_102, %sub3A : i32
        %mul3A_328 = arith.constant 2 : i32
        %mul3A_329 = arith.muli %mul3A_328, %sub3A_327 : i32
        %dma_wait3A_330 = arith.constant 0 : i32
        %dma_wait3A_331 = tpu.memref_slice %arg4[%mul3A_329, %mul3A_2, %dma_wait3A_330] : memref<50x4096x128xf32, #tpu.memory_space<hbm>> -> memref<2x128x128xf32, #tpu.memory_space<hbm>>
        %dma_wait3A_332 = arith.constant 0 : i32
        %dma_wait3A_333 = tpu.memref_slice %arg4[%mul3A_329, %mul3A_2, %dma_wait3A_332] : memref<50x4096x128xf32, #tpu.memory_space<hbm>> -> memref<2x128x128xf32, #tpu.memory_space<hbm>>
        tpu.wait_dma2 semaphore(%arg13 : memref<!tpu.dma_semaphore, #tpu.memory_space<semaphore_mem>>) src(%arg7 : memref<2x128x128xf32, #tpu.memory_space<vmem>>) dst(%dma_wait3A_333 : memref<2x128x128xf32, #tpu.memory_space<hbm>>)
      } else {
      }
      %add3A_105 = arith.constant 1 : i32
      %add3A_106 = arith.addi %add3A_102, %add3A_105 : i32
      %mul3A_107 = arith.constant 2 : i32
      %mul3A_108 = arith.muli %mul3A_107, %add3A_106 : i32
      %add3A_109 = arith.constant 0 : i32
      %add3A_110 = arith.addi %mul3A_108, %add3A_109 : i32
      %dma_start3A_111 = arith.constant 0 : i32
      %dma_start3A_112 = arith.constant 0 : i32
      %dma_start3A_113 = arith.constant 0 : i32
      %dma_start3A_114 = tpu.memref_slice %arg7[%dma_start3A_111, %dma_start3A_112, %dma_start3A_113] : memref<2x128x128xf32, #tpu.memory_space<vmem>> -> memref<1x128x128xf32, #tpu.memory_space<vmem>>
      %dma_start3A_115 = tpu.memref_squeeze %dma_start3A_114 : memref<1x128x128xf32, #tpu.memory_space<vmem>> -> memref<128x128xf32, #tpu.memory_space<vmem>>
      %dma_start3A_116 = arith.constant 0 : i32
      %dma_start3A_117 = tpu.memref_slice %arg5[%add3A_110, %dma_start3A_116] : memref<50x128xi32, #tpu.memory_space<vmem>> -> memref<1x128xi32, #tpu.memory_space<vmem>>
      %dma_start3A_118 = tpu.memref_squeeze %dma_start3A_117 : memref<1x128xi32, #tpu.memory_space<vmem>> -> memref<128xi32, #tpu.memory_space<vmem>>
      %dma_start3A_119 = arith.constant 0 : i32
      %dma_start3A_120 = arith.constant 0 : i32
      %dma_start3A_121 = tpu.memref_slice %arg2[%dma_start3A_119, %dma_start3A_120] : memref<100000x128xf32, #tpu.memory_space<hbm>> -> memref<100000x128xf32, #tpu.memory_space<hbm>>
      tpu.enqueue_indirect_dma source(%dma_start3A_121 : memref<100000x128xf32, #tpu.memory_space<hbm>>) target(%dma_start3A_115 : memref<128x128xf32, #tpu.memory_space<vmem>>) offsets(%dma_start3A_118 : memref<128xi32, #tpu.memory_space<vmem>>) semaphore(%arg10 : memref<!tpu.dma_semaphore, #tpu.memory_space<semaphore_mem>>)
      %mul3A_122 = arith.constant 2 : i32
      %mul3A_123 = arith.muli %mul3A_122, %add3A_106 : i32
      %add3A_124 = arith.constant 1 : i32
      %add3A_125 = arith.addi %mul3A_123, %add3A_124 : i32
      %dma_start3A_126 = arith.constant 1 : i32
      %dma_start3A_127 = arith.constant 0 : i32
      %dma_start3A_128 = arith.constant 0 : i32
      %dma_start3A_129 = tpu.memref_slice %arg7[%dma_start3A_126, %dma_start3A_127, %dma_start3A_128] : memref<2x128x128xf32, #tpu.memory_space<vmem>> -> memref<1x128x128xf32, #tpu.memory_space<vmem>>
      %dma_start3A_130 = tpu.memref_squeeze %dma_start3A_129 : memref<1x128x128xf32, #tpu.memory_space<vmem>> -> memref<128x128xf32, #tpu.memory_space<vmem>>
      %dma_start3A_131 = arith.constant 0 : i32
      %dma_start3A_132 = tpu.memref_slice %arg5[%add3A_125, %dma_start3A_131] : memref<50x128xi32, #tpu.memory_space<vmem>> -> memref<1x128xi32, #tpu.memory_space<vmem>>
      %dma_start3A_133 = tpu.memref_squeeze %dma_start3A_132 : memref<1x128xi32, #tpu.memory_space<vmem>> -> memref<128xi32, #tpu.memory_space<vmem>>
      %dma_start3A_134 = arith.constant 0 : i32
      %dma_start3A_135 = arith.constant 0 : i32
      %dma_start3A_136 = tpu.memref_slice %arg2[%dma_start3A_134, %dma_start3A_135] : memref<100000x128xf32, #tpu.memory_space<hbm>> -> memref<100000x128xf32, #tpu.memory_space<hbm>>
      tpu.enqueue_indirect_dma source(%dma_start3A_136 : memref<100000x128xf32, #tpu.memory_space<hbm>>) target(%dma_start3A_130 : memref<128x128xf32, #tpu.memory_space<vmem>>) offsets(%dma_start3A_133 : memref<128xi32, #tpu.memory_space<vmem>>) semaphore(%arg10 : memref<!tpu.dma_semaphore, #tpu.memory_space<semaphore_mem>>)
      %mul3A_137 = arith.constant 2 : i32
      %mul3A_138 = arith.muli %mul3A_137, %add3A_102 : i32
      %add3A_139 = arith.constant 0 : i32
      %add3A_140 = arith.addi %mul3A_138, %add3A_139 : i32
      %dma_wait3A_141 = arith.constant 0 : i32
      %dma_wait3A_142 = arith.constant 0 : i32
      %dma_wait3A_143 = arith.constant 0 : i32
      %dma_wait3A_144 = tpu.memref_slice %arg6[%dma_wait3A_141, %dma_wait3A_142, %dma_wait3A_143] : memref<2x128x128xf32, #tpu.memory_space<vmem>> -> memref<1x128x128xf32, #tpu.memory_space<vmem>>
      %dma_wait3A_145 = tpu.memref_squeeze %dma_wait3A_144 : memref<1x128x128xf32, #tpu.memory_space<vmem>> -> memref<128x128xf32, #tpu.memory_space<vmem>>
      %dma_wait3A_146 = arith.constant 0 : i32
      %dma_wait3A_147 = tpu.memref_slice %arg5[%add3A_140, %dma_wait3A_146] : memref<50x128xi32, #tpu.memory_space<vmem>> -> memref<1x128xi32, #tpu.memory_space<vmem>>
      %dma_wait3A_148 = tpu.memref_squeeze %dma_wait3A_147 : memref<1x128xi32, #tpu.memory_space<vmem>> -> memref<128xi32, #tpu.memory_space<vmem>>
      %dma_wait3A_149 = arith.constant 0 : i32
      %dma_wait3A_150 = arith.constant 0 : i32
      %dma_wait3A_151 = tpu.memref_slice %arg2[%dma_wait3A_149, %dma_wait3A_150] : memref<100000x128xf32, #tpu.memory_space<hbm>> -> memref<100000x128xf32, #tpu.memory_space<hbm>>
      tpu.wait_indirect_dma semaphore(%arg9 : memref<!tpu.dma_semaphore, #tpu.memory_space<semaphore_mem>>) src(%dma_wait3A_151 : memref<100000x128xf32, #tpu.memory_space<hbm>>) dst(%dma_wait3A_145 : memref<128x128xf32, #tpu.memory_space<vmem>>)
      %mul3A_152 = arith.constant 2 : i32
      %mul3A_153 = arith.muli %mul3A_152, %add3A_102 : i32
      %add3A_154 = arith.constant 1 : i32
      %add3A_155 = arith.addi %mul3A_153, %add3A_154 : i32
      %dma_wait3A_156 = arith.constant 1 : i32
      %dma_wait3A_157 = arith.constant 0 : i32
      %dma_wait3A_158 = arith.constant 0 : i32
      %dma_wait3A_159 = tpu.memref_slice %arg6[%dma_wait3A_156, %dma_wait3A_157, %dma_wait3A_158] : memref<2x128x128xf32, #tpu.memory_space<vmem>> -> memref<1x128x128xf32, #tpu.memory_space<vmem>>
      %dma_wait3A_160 = tpu.memref_squeeze %dma_wait3A_159 : memref<1x128x128xf32, #tpu.memory_space<vmem>> -> memref<128x128xf32, #tpu.memory_space<vmem>>
      %dma_wait3A_161 = arith.constant 0 : i32
      %dma_wait3A_162 = tpu.memref_slice %arg5[%add3A_155, %dma_wait3A_161] : memref<50x128xi32, #tpu.memory_space<vmem>> -> memref<1x128xi32, #tpu.memory_space<vmem>>
      %dma_wait3A_163 = tpu.memref_squeeze %dma_wait3A_162 : memref<1x128xi32, #tpu.memory_space<vmem>> -> memref<128xi32, #tpu.memory_space<vmem>>
      %dma_wait3A_164 = arith.constant 0 : i32
      %dma_wait3A_165 = arith.constant 0 : i32
      %dma_wait3A_166 = tpu.memref_slice %arg2[%dma_wait3A_164, %dma_wait3A_165] : memref<100000x128xf32, #tpu.memory_space<hbm>> -> memref<100000x128xf32, #tpu.memory_space<hbm>>
      tpu.wait_indirect_dma semaphore(%arg9 : memref<!tpu.dma_semaphore, #tpu.memory_space<semaphore_mem>>) src(%dma_wait3A_166 : memref<100000x128xf32, #tpu.memory_space<hbm>>) dst(%dma_wait3A_160 : memref<128x128xf32, #tpu.memory_space<vmem>>)
      %mul3A_167 = arith.constant 2 : i32
      %mul3A_168 = arith.muli %mul3A_167, %add3A_102 : i32
      %dma_start3A_169 = arith.constant 0 : i32
      %dma_start3A_170 = tpu.memref_slice %arg4[%mul3A_168, %mul3A_2, %dma_start3A_169] : memref<50x4096x128xf32, #tpu.memory_space<hbm>> -> memref<2x128x128xf32, #tpu.memory_space<hbm>>
      %dma_start3A_171 = arith.constant 0 : i32
      %dma_start3A_172 = tpu.memref_slice %arg4[%mul3A_168, %mul3A_2, %dma_start3A_171] : memref<50x4096x128xf32, #tpu.memory_space<hbm>> -> memref<2x128x128xf32, #tpu.memory_space<hbm>>
      tpu.enqueue_dma source(%arg6 : memref<2x128x128xf32, #tpu.memory_space<vmem>>) target(%dma_start3A_172 : memref<2x128x128xf32, #tpu.memory_space<hbm>>) target_semaphore(%arg12 : memref<!tpu.dma_semaphore, #tpu.memory_space<semaphore_mem>>)
      %mul3A_173 = arith.constant 3 : i32
      %mul3A_174 = arith.muli %mul3A_173, %scan3A_98 : i32
      %add3A_175 = arith.constant 1 : i32
      %add3A_176 = arith.addi %mul3A_174, %add3A_175 : i32
      %ge3A_177 = arith.constant 2 : i32
      %ge3A_178 = arith.cmpi sge, %add3A_176, %ge3A_177 : i32
      %convert_element_type3A_179 = arith.extui %ge3A_178 : i1 to i32
      %cond3A_180 = arith.constant 0 : i32
      %cond3A_181 = arith.cmpi ne, %convert_element_type3A_179, %cond3A_180 : i32
      scf.if %cond3A_181 {
        %sub3A = arith.constant 2 : i32
        %sub3A_327 = arith.subi %add3A_176, %sub3A : i32
        %mul3A_328 = arith.constant 2 : i32
        %mul3A_329 = arith.muli %mul3A_328, %sub3A_327 : i32
        %dma_wait3A_330 = arith.constant 0 : i32
        %dma_wait3A_331 = tpu.memref_slice %arg4[%mul3A_329, %mul3A_2, %dma_wait3A_330] : memref<50x4096x128xf32, #tpu.memory_space<hbm>> -> memref<2x128x128xf32, #tpu.memory_space<hbm>>
        %dma_wait3A_332 = arith.constant 0 : i32
        %dma_wait3A_333 = tpu.memref_slice %arg4[%mul3A_329, %mul3A_2, %dma_wait3A_332] : memref<50x4096x128xf32, #tpu.memory_space<hbm>> -> memref<2x128x128xf32, #tpu.memory_space<hbm>>
        tpu.wait_dma2 semaphore(%arg14 : memref<!tpu.dma_semaphore, #tpu.memory_space<semaphore_mem>>) src(%arg8 : memref<2x128x128xf32, #tpu.memory_space<vmem>>) dst(%dma_wait3A_333 : memref<2x128x128xf32, #tpu.memory_space<hbm>>)
      } else {
      }
      %add3A_182 = arith.constant 1 : i32
      %add3A_183 = arith.addi %add3A_176, %add3A_182 : i32
      %mul3A_184 = arith.constant 2 : i32
      %mul3A_185 = arith.muli %mul3A_184, %add3A_183 : i32
      %add3A_186 = arith.constant 0 : i32
      %add3A_187 = arith.addi %mul3A_185, %add3A_186 : i32
      %dma_start3A_188 = arith.constant 0 : i32
      %dma_start3A_189 = arith.constant 0 : i32
      %dma_start3A_190 = arith.constant 0 : i32
      %dma_start3A_191 = tpu.memref_slice %arg8[%dma_start3A_188, %dma_start3A_189, %dma_start3A_190] : memref<2x128x128xf32, #tpu.memory_space<vmem>> -> memref<1x128x128xf32, #tpu.memory_space<vmem>>
      %dma_start3A_192 = tpu.memref_squeeze %dma_start3A_191 : memref<1x128x128xf32, #tpu.memory_space<vmem>> -> memref<128x128xf32, #tpu.memory_space<vmem>>
      %dma_start3A_193 = arith.constant 0 : i32
      %dma_start3A_194 = tpu.memref_slice %arg5[%add3A_187, %dma_start3A_193] : memref<50x128xi32, #tpu.memory_space<vmem>> -> memref<1x128xi32, #tpu.memory_space<vmem>>
      %dma_start3A_195 = tpu.memref_squeeze %dma_start3A_194 : memref<1x128xi32, #tpu.memory_space<vmem>> -> memref<128xi32, #tpu.memory_space<vmem>>
      %dma_start3A_196 = arith.constant 0 : i32
      %dma_start3A_197 = arith.constant 0 : i32
      %dma_start3A_198 = tpu.memref_slice %arg2[%dma_start3A_196, %dma_start3A_197] : memref<100000x128xf32, #tpu.memory_space<hbm>> -> memref<100000x128xf32, #tpu.memory_space<hbm>>
      tpu.enqueue_indirect_dma source(%dma_start3A_198 : memref<100000x128xf32, #tpu.memory_space<hbm>>) target(%dma_start3A_192 : memref<128x128xf32, #tpu.memory_space<vmem>>) offsets(%dma_start3A_195 : memref<128xi32, #tpu.memory_space<vmem>>) semaphore(%arg11 : memref<!tpu.dma_semaphore, #tpu.memory_space<semaphore_mem>>)
      %mul3A_199 = arith.constant 2 : i32
      %mul3A_200 = arith.muli %mul3A_199, %add3A_183 : i32
      %add3A_201 = arith.constant 1 : i32
      %add3A_202 = arith.addi %mul3A_200, %add3A_201 : i32
      %dma_start3A_203 = arith.constant 1 : i32
      %dma_start3A_204 = arith.constant 0 : i32
      %dma_start3A_205 = arith.constant 0 : i32
      %dma_start3A_206 = tpu.memref_slice %arg8[%dma_start3A_203, %dma_start3A_204, %dma_start3A_205] : memref<2x128x128xf32, #tpu.memory_space<vmem>> -> memref<1x128x128xf32, #tpu.memory_space<vmem>>
      %dma_start3A_207 = tpu.memref_squeeze %dma_start3A_206 : memref<1x128x128xf32, #tpu.memory_space<vmem>> -> memref<128x128xf32, #tpu.memory_space<vmem>>
      %dma_start3A_208 = arith.constant 0 : i32
      %dma_start3A_209 = tpu.memref_slice %arg5[%add3A_202, %dma_start3A_208] : memref<50x128xi32, #tpu.memory_space<vmem>> -> memref<1x128xi32, #tpu.memory_space<vmem>>
      %dma_start3A_210 = tpu.memref_squeeze %dma_start3A_209 : memref<1x128xi32, #tpu.memory_space<vmem>> -> memref<128xi32, #tpu.memory_space<vmem>>
      %dma_start3A_211 = arith.constant 0 : i32
      %dma_start3A_212 = arith.constant 0 : i32
      %dma_start3A_213 = tpu.memref_slice %arg2[%dma_start3A_211, %dma_start3A_212] : memref<100000x128xf32, #tpu.memory_space<hbm>> -> memref<100000x128xf32, #tpu.memory_space<hbm>>
      tpu.enqueue_indirect_dma source(%dma_start3A_213 : memref<100000x128xf32, #tpu.memory_space<hbm>>) target(%dma_start3A_207 : memref<128x128xf32, #tpu.memory_space<vmem>>) offsets(%dma_start3A_210 : memref<128xi32, #tpu.memory_space<vmem>>) semaphore(%arg11 : memref<!tpu.dma_semaphore, #tpu.memory_space<semaphore_mem>>)
      %mul3A_214 = arith.constant 2 : i32
      %mul3A_215 = arith.muli %mul3A_214, %add3A_176 : i32
      %add3A_216 = arith.constant 0 : i32
      %add3A_217 = arith.addi %mul3A_215, %add3A_216 : i32
      %dma_wait3A_218 = arith.constant 0 : i32
      %dma_wait3A_219 = arith.constant 0 : i32
      %dma_wait3A_220 = arith.constant 0 : i32
      %dma_wait3A_221 = tpu.memref_slice %arg7[%dma_wait3A_218, %dma_wait3A_219, %dma_wait3A_220] : memref<2x128x128xf32, #tpu.memory_space<vmem>> -> memref<1x128x128xf32, #tpu.memory_space<vmem>>
      %dma_wait3A_222 = tpu.memref_squeeze %dma_wait3A_221 : memref<1x128x128xf32, #tpu.memory_space<vmem>> -> memref<128x128xf32, #tpu.memory_space<vmem>>
      %dma_wait3A_223 = arith.constant 0 : i32
      %dma_wait3A_224 = tpu.memref_slice %arg5[%add3A_217, %dma_wait3A_223] : memref<50x128xi32, #tpu.memory_space<vmem>> -> memref<1x128xi32, #tpu.memory_space<vmem>>
      %dma_wait3A_225 = tpu.memref_squeeze %dma_wait3A_224 : memref<1x128xi32, #tpu.memory_space<vmem>> -> memref<128xi32, #tpu.memory_space<vmem>>
      %dma_wait3A_226 = arith.constant 0 : i32
      %dma_wait3A_227 = arith.constant 0 : i32
      %dma_wait3A_228 = tpu.memref_slice %arg2[%dma_wait3A_226, %dma_wait3A_227] : memref<100000x128xf32, #tpu.memory_space<hbm>> -> memref<100000x128xf32, #tpu.memory_space<hbm>>
      tpu.wait_indirect_dma semaphore(%arg10 : memref<!tpu.dma_semaphore, #tpu.memory_space<semaphore_mem>>) src(%dma_wait3A_228 : memref<100000x128xf32, #tpu.memory_space<hbm>>) dst(%dma_wait3A_222 : memref<128x128xf32, #tpu.memory_space<vmem>>)
      %mul3A_229 = arith.constant 2 : i32
      %mul3A_230 = arith.muli %mul3A_229, %add3A_176 : i32
      %add3A_231 = arith.constant 1 : i32
      %add3A_232 = arith.addi %mul3A_230, %add3A_231 : i32
      %dma_wait3A_233 = arith.constant 1 : i32
      %dma_wait3A_234 = arith.constant 0 : i32
      %dma_wait3A_235 = arith.constant 0 : i32
      %dma_wait3A_236 = tpu.memref_slice %arg7[%dma_wait3A_233, %dma_wait3A_234, %dma_wait3A_235] : memref<2x128x128xf32, #tpu.memory_space<vmem>> -> memref<1x128x128xf32, #tpu.memory_space<vmem>>
      %dma_wait3A_237 = tpu.memref_squeeze %dma_wait3A_236 : memref<1x128x128xf32, #tpu.memory_space<vmem>> -> memref<128x128xf32, #tpu.memory_space<vmem>>
      %dma_wait3A_238 = arith.constant 0 : i32
      %dma_wait3A_239 = tpu.memref_slice %arg5[%add3A_232, %dma_wait3A_238] : memref<50x128xi32, #tpu.memory_space<vmem>> -> memref<1x128xi32, #tpu.memory_space<vmem>>
      %dma_wait3A_240 = tpu.memref_squeeze %dma_wait3A_239 : memref<1x128xi32, #tpu.memory_space<vmem>> -> memref<128xi32, #tpu.memory_space<vmem>>
      %dma_wait3A_241 = arith.constant 0 : i32
      %dma_wait3A_242 = arith.constant 0 : i32
      %dma_wait3A_243 = tpu.memref_slice %arg2[%dma_wait3A_241, %dma_wait3A_242] : memref<100000x128xf32, #tpu.memory_space<hbm>> -> memref<100000x128xf32, #tpu.memory_space<hbm>>
      tpu.wait_indirect_dma semaphore(%arg10 : memref<!tpu.dma_semaphore, #tpu.memory_space<semaphore_mem>>) src(%dma_wait3A_243 : memref<100000x128xf32, #tpu.memory_space<hbm>>) dst(%dma_wait3A_237 : memref<128x128xf32, #tpu.memory_space<vmem>>)
      %mul3A_244 = arith.constant 2 : i32
      %mul3A_245 = arith.muli %mul3A_244, %add3A_176 : i32
      %dma_start3A_246 = arith.constant 0 : i32
      %dma_start3A_247 = tpu.memref_slice %arg4[%mul3A_245, %mul3A_2, %dma_start3A_246] : memref<50x4096x128xf32, #tpu.memory_space<hbm>> -> memref<2x128x128xf32, #tpu.memory_space<hbm>>
      %dma_start3A_248 = arith.constant 0 : i32
      %dma_start3A_249 = tpu.memref_slice %arg4[%mul3A_245, %mul3A_2, %dma_start3A_248] : memref<50x4096x128xf32, #tpu.memory_space<hbm>> -> memref<2x128x128xf32, #tpu.memory_space<hbm>>
      tpu.enqueue_dma source(%arg7 : memref<2x128x128xf32, #tpu.memory_space<vmem>>) target(%dma_start3A_249 : memref<2x128x128xf32, #tpu.memory_space<hbm>>) target_semaphore(%arg13 : memref<!tpu.dma_semaphore, #tpu.memory_space<semaphore_mem>>)
      %mul3A_250 = arith.constant 3 : i32
      %mul3A_251 = arith.muli %mul3A_250, %scan3A_98 : i32
      %add3A_252 = arith.constant 2 : i32
      %add3A_253 = arith.addi %mul3A_251, %add3A_252 : i32
      %ge3A_254 = arith.constant 2 : i32
      %ge3A_255 = arith.cmpi sge, %add3A_253, %ge3A_254 : i32
      %convert_element_type3A_256 = arith.extui %ge3A_255 : i1 to i32
      %cond3A_257 = arith.constant 0 : i32
      %cond3A_258 = arith.cmpi ne, %convert_element_type3A_256, %cond3A_257 : i32
      scf.if %cond3A_258 {
        %sub3A = arith.constant 2 : i32
        %sub3A_327 = arith.subi %add3A_253, %sub3A : i32
        %mul3A_328 = arith.constant 2 : i32
        %mul3A_329 = arith.muli %mul3A_328, %sub3A_327 : i32
        %dma_wait3A_330 = arith.constant 0 : i32
        %dma_wait3A_331 = tpu.memref_slice %arg4[%mul3A_329, %mul3A_2, %dma_wait3A_330] : memref<50x4096x128xf32, #tpu.memory_space<hbm>> -> memref<2x128x128xf32, #tpu.memory_space<hbm>>
        %dma_wait3A_332 = arith.constant 0 : i32
        %dma_wait3A_333 = tpu.memref_slice %arg4[%mul3A_329, %mul3A_2, %dma_wait3A_332] : memref<50x4096x128xf32, #tpu.memory_space<hbm>> -> memref<2x128x128xf32, #tpu.memory_space<hbm>>
        tpu.wait_dma2 semaphore(%arg12 : memref<!tpu.dma_semaphore, #tpu.memory_space<semaphore_mem>>) src(%arg6 : memref<2x128x128xf32, #tpu.memory_space<vmem>>) dst(%dma_wait3A_333 : memref<2x128x128xf32, #tpu.memory_space<hbm>>)
      } else {
      }
      %add3A_259 = arith.constant 1 : i32
      %add3A_260 = arith.addi %add3A_253, %add3A_259 : i32
      %mul3A_261 = arith.constant 2 : i32
      %mul3A_262 = arith.muli %mul3A_261, %add3A_260 : i32
      %add3A_263 = arith.constant 0 : i32
      %add3A_264 = arith.addi %mul3A_262, %add3A_263 : i32
      %dma_start3A_265 = arith.constant 0 : i32
      %dma_start3A_266 = arith.constant 0 : i32
      %dma_start3A_267 = arith.constant 0 : i32
      %dma_start3A_268 = tpu.memref_slice %arg6[%dma_start3A_265, %dma_start3A_266, %dma_start3A_267] : memref<2x128x128xf32, #tpu.memory_space<vmem>> -> memref<1x128x128xf32, #tpu.memory_space<vmem>>
      %dma_start3A_269 = tpu.memref_squeeze %dma_start3A_268 : memref<1x128x128xf32, #tpu.memory_space<vmem>> -> memref<128x128xf32, #tpu.memory_space<vmem>>
      %dma_start3A_270 = arith.constant 0 : i32
      %dma_start3A_271 = tpu.memref_slice %arg5[%add3A_264, %dma_start3A_270] : memref<50x128xi32, #tpu.memory_space<vmem>> -> memref<1x128xi32, #tpu.memory_space<vmem>>
      %dma_start3A_272 = tpu.memref_squeeze %dma_start3A_271 : memref<1x128xi32, #tpu.memory_space<vmem>> -> memref<128xi32, #tpu.memory_space<vmem>>
      %dma_start3A_273 = arith.constant 0 : i32
      %dma_start3A_274 = arith.constant 0 : i32
      %dma_start3A_275 = tpu.memref_slice %arg2[%dma_start3A_273, %dma_start3A_274] : memref<100000x128xf32, #tpu.memory_space<hbm>> -> memref<100000x128xf32, #tpu.memory_space<hbm>>
      tpu.enqueue_indirect_dma source(%dma_start3A_275 : memref<100000x128xf32, #tpu.memory_space<hbm>>) target(%dma_start3A_269 : memref<128x128xf32, #tpu.memory_space<vmem>>) offsets(%dma_start3A_272 : memref<128xi32, #tpu.memory_space<vmem>>) semaphore(%arg9 : memref<!tpu.dma_semaphore, #tpu.memory_space<semaphore_mem>>)
      %mul3A_276 = arith.constant 2 : i32
      %mul3A_277 = arith.muli %mul3A_276, %add3A_260 : i32
      %add3A_278 = arith.constant 1 : i32
      %add3A_279 = arith.addi %mul3A_277, %add3A_278 : i32
      %dma_start3A_280 = arith.constant 1 : i32
      %dma_start3A_281 = arith.constant 0 : i32
      %dma_start3A_282 = arith.constant 0 : i32
      %dma_start3A_283 = tpu.memref_slice %arg6[%dma_start3A_280, %dma_start3A_281, %dma_start3A_282] : memref<2x128x128xf32, #tpu.memory_space<vmem>> -> memref<1x128x128xf32, #tpu.memory_space<vmem>>
      %dma_start3A_284 = tpu.memref_squeeze %dma_start3A_283 : memref<1x128x128xf32, #tpu.memory_space<vmem>> -> memref<128x128xf32, #tpu.memory_space<vmem>>
      %dma_start3A_285 = arith.constant 0 : i32
      %dma_start3A_286 = tpu.memref_slice %arg5[%add3A_279, %dma_start3A_285] : memref<50x128xi32, #tpu.memory_space<vmem>> -> memref<1x128xi32, #tpu.memory_space<vmem>>
      %dma_start3A_287 = tpu.memref_squeeze %dma_start3A_286 : memref<1x128xi32, #tpu.memory_space<vmem>> -> memref<128xi32, #tpu.memory_space<vmem>>
      %dma_start3A_288 = arith.constant 0 : i32
      %dma_start3A_289 = arith.constant 0 : i32
      %dma_start3A_290 = tpu.memref_slice %arg2[%dma_start3A_288, %dma_start3A_289] : memref<100000x128xf32, #tpu.memory_space<hbm>> -> memref<100000x128xf32, #tpu.memory_space<hbm>>
      tpu.enqueue_indirect_dma source(%dma_start3A_290 : memref<100000x128xf32, #tpu.memory_space<hbm>>) target(%dma_start3A_284 : memref<128x128xf32, #tpu.memory_space<vmem>>) offsets(%dma_start3A_287 : memref<128xi32, #tpu.memory_space<vmem>>) semaphore(%arg9 : memref<!tpu.dma_semaphore, #tpu.memory_space<semaphore_mem>>)
      %mul3A_291 = arith.constant 2 : i32
      %mul3A_292 = arith.muli %mul3A_291, %add3A_253 : i32
      %add3A_293 = arith.constant 0 : i32
      %add3A_294 = arith.addi %mul3A_292, %add3A_293 : i32
      %dma_wait3A_295 = arith.constant 0 : i32
      %dma_wait3A_296 = arith.constant 0 : i32
      %dma_wait3A_297 = arith.constant 0 : i32
      %dma_wait3A_298 = tpu.memref_slice %arg8[%dma_wait3A_295, %dma_wait3A_296, %dma_wait3A_297] : memref<2x128x128xf32, #tpu.memory_space<vmem>> -> memref<1x128x128xf32, #tpu.memory_space<vmem>>
      %dma_wait3A_299 = tpu.memref_squeeze %dma_wait3A_298 : memref<1x128x128xf32, #tpu.memory_space<vmem>> -> memref<128x128xf32, #tpu.memory_space<vmem>>
      %dma_wait3A_300 = arith.constant 0 : i32
      %dma_wait3A_301 = tpu.memref_slice %arg5[%add3A_294, %dma_wait3A_300] : memref<50x128xi32, #tpu.memory_space<vmem>> -> memref<1x128xi32, #tpu.memory_space<vmem>>
      %dma_wait3A_302 = tpu.memref_squeeze %dma_wait3A_301 : memref<1x128xi32, #tpu.memory_space<vmem>> -> memref<128xi32, #tpu.memory_space<vmem>>
      %dma_wait3A_303 = arith.constant 0 : i32
      %dma_wait3A_304 = arith.constant 0 : i32
      %dma_wait3A_305 = tpu.memref_slice %arg2[%dma_wait3A_303, %dma_wait3A_304] : memref<100000x128xf32, #tpu.memory_space<hbm>> -> memref<100000x128xf32, #tpu.memory_space<hbm>>
      tpu.wait_indirect_dma semaphore(%arg11 : memref<!tpu.dma_semaphore, #tpu.memory_space<semaphore_mem>>) src(%dma_wait3A_305 : memref<100000x128xf32, #tpu.memory_space<hbm>>) dst(%dma_wait3A_299 : memref<128x128xf32, #tpu.memory_space<vmem>>)
      %mul3A_306 = arith.constant 2 : i32
      %mul3A_307 = arith.muli %mul3A_306, %add3A_253 : i32
      %add3A_308 = arith.constant 1 : i32
      %add3A_309 = arith.addi %mul3A_307, %add3A_308 : i32
      %dma_wait3A_310 = arith.constant 1 : i32
      %dma_wait3A_311 = arith.constant 0 : i32
      %dma_wait3A_312 = arith.constant 0 : i32
      %dma_wait3A_313 = tpu.memref_slice %arg8[%dma_wait3A_310, %dma_wait3A_311, %dma_wait3A_312] : memref<2x128x128xf32, #tpu.memory_space<vmem>> -> memref<1x128x128xf32, #tpu.memory_space<vmem>>
      %dma_wait3A_314 = tpu.memref_squeeze %dma_wait3A_313 : memref<1x128x128xf32, #tpu.memory_space<vmem>> -> memref<128x128xf32, #tpu.memory_space<vmem>>
      %dma_wait3A_315 = arith.constant 0 : i32
      %dma_wait3A_316 = tpu.memref_slice %arg5[%add3A_309, %dma_wait3A_315] : memref<50x128xi32, #tpu.memory_space<vmem>> -> memref<1x128xi32, #tpu.memory_space<vmem>>
      %dma_wait3A_317 = tpu.memref_squeeze %dma_wait3A_316 : memref<1x128xi32, #tpu.memory_space<vmem>> -> memref<128xi32, #tpu.memory_space<vmem>>
      %dma_wait3A_318 = arith.constant 0 : i32
      %dma_wait3A_319 = arith.constant 0 : i32
      %dma_wait3A_320 = tpu.memref_slice %arg2[%dma_wait3A_318, %dma_wait3A_319] : memref<100000x128xf32, #tpu.memory_space<hbm>> -> memref<100000x128xf32, #tpu.memory_space<hbm>>
      tpu.wait_indirect_dma semaphore(%arg11 : memref<!tpu.dma_semaphore, #tpu.memory_space<semaphore_mem>>) src(%dma_wait3A_320 : memref<100000x128xf32, #tpu.memory_space<hbm>>) dst(%dma_wait3A_314 : memref<128x128xf32, #tpu.memory_space<vmem>>)
      %mul3A_321 = arith.constant 2 : i32
      %mul3A_322 = arith.muli %mul3A_321, %add3A_253 : i32
      %dma_start3A_323 = arith.constant 0 : i32
      %dma_start3A_324 = tpu.memref_slice %arg4[%mul3A_322, %mul3A_2, %dma_start3A_323] : memref<50x4096x128xf32, #tpu.memory_space<hbm>> -> memref<2x128x128xf32, #tpu.memory_space<hbm>>
      %dma_start3A_325 = arith.constant 0 : i32
      %dma_start3A_326 = tpu.memref_slice %arg4[%mul3A_322, %mul3A_2, %dma_start3A_325] : memref<50x4096x128xf32, #tpu.memory_space<hbm>> -> memref<2x128x128xf32, #tpu.memory_space<hbm>>
      tpu.enqueue_dma source(%arg8 : memref<2x128x128xf32, #tpu.memory_space<vmem>>) target(%dma_start3A_326 : memref<2x128x128xf32, #tpu.memory_space<hbm>>) target_semaphore(%arg14 : memref<!tpu.dma_semaphore, #tpu.memory_space<semaphore_mem>>)
    }
    %scan3A_49 = arith.constant 8 : i32
    %dma_wait3A_50 = arith.constant 48 : i32
    %dma_wait3A_51 = arith.constant 0 : i32
    %dma_wait3A_52 = arith.constant 0 : i32
    %dma_wait3A_53 = arith.constant 0 : i32
    %dma_wait3A_54 = tpu.memref_slice %arg6[%dma_wait3A_51, %dma_wait3A_52, %dma_wait3A_53] : memref<2x128x128xf32, #tpu.memory_space<vmem>> -> memref<1x128x128xf32, #tpu.memory_space<vmem>>
    %dma_wait3A_55 = tpu.memref_squeeze %dma_wait3A_54 : memref<1x128x128xf32, #tpu.memory_space<vmem>> -> memref<128x128xf32, #tpu.memory_space<vmem>>
    %dma_wait3A_56 = arith.constant 0 : i32
    %dma_wait3A_57 = tpu.memref_slice %arg5[%dma_wait3A_50, %dma_wait3A_56] : memref<50x128xi32, #tpu.memory_space<vmem>> -> memref<1x128xi32, #tpu.memory_space<vmem>>
    %dma_wait3A_58 = tpu.memref_squeeze %dma_wait3A_57 : memref<1x128xi32, #tpu.memory_space<vmem>> -> memref<128xi32, #tpu.memory_space<vmem>>
    %dma_wait3A_59 = arith.constant 0 : i32
    %dma_wait3A_60 = arith.constant 0 : i32
    %dma_wait3A_61 = tpu.memref_slice %arg2[%dma_wait3A_59, %dma_wait3A_60] : memref<100000x128xf32, #tpu.memory_space<hbm>> -> memref<100000x128xf32, #tpu.memory_space<hbm>>
    tpu.wait_indirect_dma semaphore(%arg9 : memref<!tpu.dma_semaphore, #tpu.memory_space<semaphore_mem>>) src(%dma_wait3A_61 : memref<100000x128xf32, #tpu.memory_space<hbm>>) dst(%dma_wait3A_55 : memref<128x128xf32, #tpu.memory_space<vmem>>)
    %dma_wait3A_62 = arith.constant 49 : i32
    %dma_wait3A_63 = arith.constant 1 : i32
    %dma_wait3A_64 = arith.constant 0 : i32
    %dma_wait3A_65 = arith.constant 0 : i32
    %dma_wait3A_66 = tpu.memref_slice %arg6[%dma_wait3A_63, %dma_wait3A_64, %dma_wait3A_65] : memref<2x128x128xf32, #tpu.memory_space<vmem>> -> memref<1x128x128xf32, #tpu.memory_space<vmem>>
    %dma_wait3A_67 = tpu.memref_squeeze %dma_wait3A_66 : memref<1x128x128xf32, #tpu.memory_space<vmem>> -> memref<128x128xf32, #tpu.memory_space<vmem>>
    %dma_wait3A_68 = arith.constant 0 : i32
    %dma_wait3A_69 = tpu.memref_slice %arg5[%dma_wait3A_62, %dma_wait3A_68] : memref<50x128xi32, #tpu.memory_space<vmem>> -> memref<1x128xi32, #tpu.memory_space<vmem>>
    %dma_wait3A_70 = tpu.memref_squeeze %dma_wait3A_69 : memref<1x128xi32, #tpu.memory_space<vmem>> -> memref<128xi32, #tpu.memory_space<vmem>>
    %dma_wait3A_71 = arith.constant 0 : i32
    %dma_wait3A_72 = arith.constant 0 : i32
    %dma_wait3A_73 = tpu.memref_slice %arg2[%dma_wait3A_71, %dma_wait3A_72] : memref<100000x128xf32, #tpu.memory_space<hbm>> -> memref<100000x128xf32, #tpu.memory_space<hbm>>
    tpu.wait_indirect_dma semaphore(%arg9 : memref<!tpu.dma_semaphore, #tpu.memory_space<semaphore_mem>>) src(%dma_wait3A_73 : memref<100000x128xf32, #tpu.memory_space<hbm>>) dst(%dma_wait3A_67 : memref<128x128xf32, #tpu.memory_space<vmem>>)
    %dma_start3A_74 = arith.constant 48 : i32
    %dma_start3A_75 = arith.constant 0 : i32
    %dma_start3A_76 = tpu.memref_slice %arg4[%dma_start3A_74, %mul3A_2, %dma_start3A_75] : memref<50x4096x128xf32, #tpu.memory_space<hbm>> -> memref<2x128x128xf32, #tpu.memory_space<hbm>>
    %dma_start3A_77 = arith.constant 48 : i32
    %dma_start3A_78 = arith.constant 0 : i32
    %dma_start3A_79 = tpu.memref_slice %arg4[%dma_start3A_77, %mul3A_2, %dma_start3A_78] : memref<50x4096x128xf32, #tpu.memory_space<hbm>> -> memref<2x128x128xf32, #tpu.memory_space<hbm>>
    tpu.enqueue_dma source(%arg6 : memref<2x128x128xf32, #tpu.memory_space<vmem>>) target(%dma_start3A_79 : memref<2x128x128xf32, #tpu.memory_space<hbm>>) target_semaphore(%arg12 : memref<!tpu.dma_semaphore, #tpu.memory_space<semaphore_mem>>)
    %dma_wait3A_80 = arith.constant 44 : i32
    %dma_wait3A_81 = arith.constant 0 : i32
    %dma_wait3A_82 = tpu.memref_slice %arg4[%dma_wait3A_80, %mul3A_2, %dma_wait3A_81] : memref<50x4096x128xf32, #tpu.memory_space<hbm>> -> memref<2x128x128xf32, #tpu.memory_space<hbm>>
    %dma_wait3A_83 = arith.constant 44 : i32
    %dma_wait3A_84 = arith.constant 0 : i32
    %dma_wait3A_85 = tpu.memref_slice %arg4[%dma_wait3A_83, %mul3A_2, %dma_wait3A_84] : memref<50x4096x128xf32, #tpu.memory_space<hbm>> -> memref<2x128x128xf32, #tpu.memory_space<hbm>>
    tpu.wait_dma2 semaphore(%arg13 : memref<!tpu.dma_semaphore, #tpu.memory_space<semaphore_mem>>) src(%arg7 : memref<2x128x128xf32, #tpu.memory_space<vmem>>) dst(%dma_wait3A_85 : memref<2x128x128xf32, #tpu.memory_space<hbm>>)
    %dma_wait3A_86 = arith.constant 46 : i32
    %dma_wait3A_87 = arith.constant 0 : i32
    %dma_wait3A_88 = tpu.memref_slice %arg4[%dma_wait3A_86, %mul3A_2, %dma_wait3A_87] : memref<50x4096x128xf32, #tpu.memory_space<hbm>> -> memref<2x128x128xf32, #tpu.memory_space<hbm>>
    %dma_wait3A_89 = arith.constant 46 : i32
    %dma_wait3A_90 = arith.constant 0 : i32
    %dma_wait3A_91 = tpu.memref_slice %arg4[%dma_wait3A_89, %mul3A_2, %dma_wait3A_90] : memref<50x4096x128xf32, #tpu.memory_space<hbm>> -> memref<2x128x128xf32, #tpu.memory_space<hbm>>
    tpu.wait_dma2 semaphore(%arg14 : memref<!tpu.dma_semaphore, #tpu.memory_space<semaphore_mem>>) src(%arg8 : memref<2x128x128xf32, #tpu.memory_space<vmem>>) dst(%dma_wait3A_91 : memref<2x128x128xf32, #tpu.memory_space<hbm>>)
    %dma_wait3A_92 = arith.constant 48 : i32
    %dma_wait3A_93 = arith.constant 0 : i32
    %dma_wait3A_94 = tpu.memref_slice %arg4[%dma_wait3A_92, %mul3A_2, %dma_wait3A_93] : memref<50x4096x128xf32, #tpu.memory_space<hbm>> -> memref<2x128x128xf32, #tpu.memory_space<hbm>>
    %dma_wait3A_95 = arith.constant 48 : i32
    %dma_wait3A_96 = arith.constant 0 : i32
    %dma_wait3A_97 = tpu.memref_slice %arg4[%dma_wait3A_95, %mul3A_2, %dma_wait3A_96] : memref<50x4096x128xf32, #tpu.memory_space<hbm>> -> memref<2x128x128xf32, #tpu.memory_space<hbm>>
    tpu.wait_dma2 semaphore(%arg12 : memref<!tpu.dma_semaphore, #tpu.memory_space<semaphore_mem>>) src(%arg6 : memref<2x128x128xf32, #tpu.memory_space<vmem>>) dst(%dma_wait3A_97 : memref<2x128x128xf32, #tpu.memory_space<hbm>>)
    return
  }
}

</mosaic_0001>

<sc_bundles>
// kernel: kernel.3.cloned.1.call-start
scs
__scs_entry_jumppad:
0x0: {  	(pc) =	sbr.rel $0x88, $3  }
0x1: {  	(tag) =	ssettag $0x0;
	lr =	simm.s32 $0x1  }
0x2: {  	[smem:$0x3F9F] =	sst lr;
	_ =	strace $0xD0000000  }
0x3: {  	_ = 	snop  }
0x4: {  	_ = 	snop  }
0x5: {  	_ = 	snop  }
0x6: {  	_ = 	snop  }
0x7: {  	_ = 	snop  }
__scs_overlays_trampoline_lowered:
0x8: {  	[smem:$0x3FAE] =	sst s0  }
0x9: {  	[smem:$0x3FAF] =	sst s1  }
0xa: {  	[smem:$0x3FB0] =	sst s2  }
0xb: {  	[smem:$0x3FB1] =	sst s3  }
0xc: {  	[smem:$0x3FB2] =	sst s4  }
0xd: {  	[smem:$0x3FB3] =	sst s5  }
0xe: {  	[smem:$0x3FB4] =	sst s6  }
0xf: {  	[smem:$0x3FB5] =	sst s7  }
0x10: {  	[smem:$0x3FB6] =	sst s8  }
0x11: {  	[smem:$0x3FB7] =	sst s9;
	s0 =	simm.s32 @!p0 $0x0  }
0x12: {  	s1 =	sld [smem:$0x3F9D];
	s0 =	simm.s32 @p0 $0x1  }
0x13: {  	[smem:$0x3FB8] =	sst s0;
	s0 =	simm.s32 @!p1 $0x0  }
0x14: {  	s2 =	sld [smem:$0x3F9C];
	s0 =	simm.s32 @p1 $0x1  }
0x15: {  	[smem:$0x3FB9] =	sst s0;
	s0 =	simm.s32 @!p2 $0x0  }
0x16: {  	s3 =	sld [smem:$0x3FDB];
	s0 =	simm.s32 @p2 $0x1  }
0x17: {  	s4 =	simm.s32 $0x1BF5;
	[smem:$0x3FBB] =	sst s0  }
0x18: {  	s0 =	sld [smem:$0x3F9E];
	_ =	swait.ge [sflag:s4], $0x0  }
0x19: {  	s7 =	sld [smem:$0x3F9F]  }
0x1a: {  	s8 =	sadd.s32 $0xFFFFE003, lr  }
0x1b: {  	s9 =	sadd.s32 $0xFFFFFEF7, lr;
	s5 =	simm.s32 $0xFFFFFFFF;
	p2 =	slt.u32 s8, $0xFFFFF086  }
0x1c: {  	p1 =	slt.u32 s9, $0xF7A;
	s5 =	simm.s32 @!p2 $0x0  }
0x1d: {  	s5 =	simm.s32 @p1 $0x1;
	p0 =	seq.s32 s7, s2  }
0x1e: {  	s7 =	smul.u32 @!p0 $0xF7A, s2;
	p2 =	seq.s32 @!p0 s5, $0x0  }
0x1f: {  	s9 =	smul.u32 $0xF7A, s1;
	s8 =	simm.s32 @!p0 $0x1BF5;
	p2 =	por !p2, p0  }
0x20: {  	[sflag:s8] =	ssyncset.s32 @!p0 $0xFFFFF086;
	s6 =	sadd.s32 @!p0 s3, s7;
	s7 =	simm.s32 @!p0 $0x108  }
0x21: {  	s3 =	sadd.s32 s3, s9;
	s6 =	sadd.s32 @!p0 $0x88, s6;
	s7 =	simm.s32 @p2 $0x1082  }
0x22: {  	[simem:s7], [sflag:s8] =	dma.local @!p0 [hbm:s6], $0xF7A  }
0x23: {  	s9 =	sor.u32 $0xD0000000, s2;
	s6 =	simm.s32 $0x108;
	_ =	swait.ge @!p0 [sflag:s8], $0x0  }
0x24: {  	s3 =	sadd.s32 $0x88, s3;
	s6 =	simm.s32 @!p1 $0x1082;
	[sflag:s4] =	ssyncset.s32 $0xFFFFF086  }
0x25: {  	[simem:s6], [sflag:s4] =	dma.local [hbm:s3], $0xF7A  }
0x26: {  	[smem:$0x3F9F] =	sst s1;
	(tag) =	ssettag s2;
	_ =	strace s9  }
0x27: {  	s1 =	sld [smem:$0x3FAF]  }
0x28: {  	s2 =	sld [smem:$0x3FB0]  }
0x29: {  	s4 =	sld [smem:$0x3FB2]  }
0x2a: {  	p0 =	seq.s32 s5, $0x0;
	s5 =	sld [smem:$0x3FB3]  }
0x2b: {  	s6 =	sld [smem:$0x3FB4]  }
0x2c: {  	s7 =	sld [smem:$0x3FB5]  }
0x2d: {  	s3 =	simm.s32 $0x108;
	s8 =	sld [smem:$0x3FB6]  }
0x2e: {  	s3 =	simm.s32 @!p0 $0x1082;
	s9 =	sld [smem:$0x3FB7]  }
0x2f: {  	lr =	sadd.s32 s0, s3;
	s0 =	sld [smem:$0x3FAE]  }
0x30: {  	s3 =	sld [smem:$0x3FB1]  }
0x31: {  	[smem:$0x3FBA] =	sst s10  }
0x32: {  	s10 =	sld [smem:$0x3FB8];
	_ =	sdelay $0x3  }
0x33: {  	p0 =	seq.s32 s10, $0x1;
	s10 =	sld [smem:$0x3FBA];
	_ =	sdelay $0x3  }
0x34: {  	[smem:$0x3FBA] =	sst s10  }
0x35: {  	s10 =	sld [smem:$0x3FB9];
	_ =	sdelay $0x3  }
0x36: {  	p1 =	seq.s32 s10, $0x1;
	s10 =	sld [smem:$0x3FBA];
	_ =	sdelay $0x3  }
0x37: {  	[smem:$0x3FBA] =	sst s10  }
0x38: {  	s10 =	sld [smem:$0x3FBB]  }
0x39: {  	_ = 	snop;
	(pc) =	sbr.ind lr, $3  }
0x3a: {  	_ = 	snop  }
0x3b: {  	_ = 	snop  }
0x3c: {  	p2 =	seq.s32 s10, $0x1;
	s10 =	sld [smem:$0x3FBA]  }
0x3d: {  	_ =	shalt  }
0x3e: {  	_ =	shalt  }
0x3f: {  	_ =	shalt  }
0x40: {  	_ =	shalt  }
0x41: {  	_ =	shalt  }
0x42: {  	_ =	shalt  }
0x43: {  	_ =	shalt  }
0x44: {  	_ =	shalt  }
0x45: {  	_ =	shalt  }
0x46: {  	_ =	shalt  }
0x47: {  	_ =	shalt  }
0x48: {  	_ =	shalt  }
0x49: {  	_ =	shalt  }
0x4a: {  	_ =	shalt  }
0x4b: {  	_ =	shalt  }
0x4c: {  	_ =	shalt  }
0x4d: {  	_ =	shalt  }
0x4e: {  	_ =	shalt  }
0x4f: {  	_ =	shalt  }
0x50: {  	_ =	shalt  }
0x51: {  	_ =	shalt  }
0x52: {  	_ =	shalt  }
0x53: {  	_ =	shalt  }
0x54: {  	_ =	shalt  }
0x55: {  	_ =	shalt  }
0x56: {  	_ =	shalt  }
0x57: {  	_ =	shalt  }
0x58: {  	_ =	shalt  }
0x59: {  	_ =	shalt  }
0x5a: {  	_ =	shalt  }
0x5b: {  	_ =	shalt  }
0x5c: {  	_ =	shalt  }
0x5d: {  	_ =	shalt  }
0x5e: {  	_ =	shalt  }
0x5f: {  	_ =	shalt  }
0x60: {  	_ =	shalt  }
0x61: {  	_ =	shalt  }
0x62: {  	_ =	shalt  }
0x63: {  	_ =	shalt  }
0x64: {  	_ =	shalt  }
0x65: {  	_ =	shalt  }
0x66: {  	_ =	shalt  }
0x67: {  	_ =	shalt  }
0x68: {  	_ =	shalt  }
0x69: {  	_ =	shalt  }
0x6a: {  	_ =	shalt  }
0x6b: {  	_ =	shalt  }
0x6c: {  	_ =	shalt  }
0x6d: {  	_ =	shalt  }
0x6e: {  	_ =	shalt  }
0x6f: {  	_ =	shalt  }
0x70: {  	_ =	shalt  }
0x71: {  	_ =	shalt  }
0x72: {  	_ =	shalt  }
0x73: {  	_ =	shalt  }
0x74: {  	_ =	shalt  }
0x75: {  	_ =	shalt  }
0x76: {  	_ =	shalt  }
0x77: {  	_ =	shalt  }
0x78: {  	_ =	shalt  }
0x79: {  	_ =	shalt  }
0x7a: {  	_ =	shalt  }
0x7b: {  	_ =	shalt  }
0x7c: {  	_ =	shalt  }
0x7d: {  	_ =	shalt  }
0x7e: {  	_ =	shalt  }
0x7f: {  	_ =	shalt  }
0x80: {  	_ =	shalt  }
0x81: {  	_ =	shalt  }
0x82: {  	_ =	shalt  }
0x83: {  	_ =	shalt  }
0x84: {  	_ =	shalt  }
0x85: {  	_ =	shalt  }
0x86: {  	_ =	shalt  }
0x87: {  	_ =	shalt  }
.Lfunc_end0:
.L_simem_size_0:
called_computation_lowered:
.L_overlay_start_0:
0x88: {  	s2 =	sld [smem:$0x3FD9]  }
0x89: {  	s3 =	sld [smem:$0x3FFE];
	_ =	sdelay $0x1  }
0x8a: {  	s1 =	srdreg.scid  }
0x8b: {  	s0 =	sand.u32 $0x1, s1  }
0x8c: {  	s18 =	sshll.u32 s0, $0xA;
	s2 =	sadd.s32 s3, s2  }
0x8d: {  	s2 =	sadd.s32 s2, s18  }
0x8e: {  	[smem:$0x3FC6] =	sst s2  }
0x8f: {  	_ = 	snop  }
0x90: {  	s2 =	sld [smem:$0x3FC9]  }
0x91: {  	s19 =	sld [smem:$0x3FC8]  }
0x92: {  	s4 =	sld [smem:$0x3FD0];
	(tm) =	ssettm $0x1  }
0x93: {  	s5 =	sld [smem:$0x3FFB];
	_ =	sdelay $0x3  }
0x94: {  	_ =	strace s5  }
0x95: {  	s5 =	sld [smem:$0x3FFC];
	_ =	sdelay $0x3  }
0x96: {  	_ =	strace s5  }
0x97: {  	s5 =	sld [smem:$0x3FFD];
	_ =	sdelay $0x3  }
0x98: {  	_ =	strace s5  }
0x99: {  	_ =	strace $0x8FFFFFFF  }
0x9a: {  	s20 =	sld [smem:$0x3FDB];
	_ =	sdelay $0x1  }
0x9b: {  	s6 =	simm.s32 $_scs_section_size  }
0x9c: {  	s7 =	simm.s32 $_size__tile_overlayer_lowered;
	s8 =	simm.s32 $_tile_overlayer_lowered  }
0x9d: {  	s23 =	simm.s32 $0x1BFF;
	s22 =	sshll.u32 s8, $0x1;
	s5 =	sadd.s32 s6, s20  }
0x9e: {  	s9 =	simm.s32 $0x0;
	s21 =	sshll.u32 s7, $0x1;
	s7 =	sadd.s32 s22, s5  }
0x9f: {  	[timem:s9], [sflag:s23] =	dma.local [hbm:s7], s21  }
0xa0: {  	_ =	swait.ge [sflag:s23], s21  }
0xa1: {  	s6 =	ssub.s32 $0x0, s21;
	[sflag:s23] =	ssyncset.done $0x0  }
0xa2: {  	[sflag:s23] =	ssyncadd.s32 s6;
	_ =	sdelay $0x1  }
0xa3: {  	s24 =	simm.s32 $0x1B8B  }
0xa4: {  	_ =	swait.ge [sflag:s24], $0x1  }
0xa5: {  	[sflag:s24] =	ssyncset.done $0x0  }
0xa6: {  	s25 =	simm.s32 $0x1B8E;
	[sflag:s24] =	ssyncadd.s32 $0xFFFFFFFF  }
0xa7: {  	s26 =	simm.s32 $execute0_lowered;
	[smem:$0x3FD2] =	sst s25  }
0xa8: {  	s6 =	sshll.u32 s26, $0x1;
	_ =	strace $0x80000046;
	[dreg:$0x1] =	wrdreg $0xFFFFFFFF  }
0xa9: {  	s28 =	simm.s32 $_size_execute0_lowered;
	s5 =	sadd.s32 s5, s6;
	[dreg:$0x0] =	wrdreg $0x0  }
0xaa: {  	s6 =	sshll.u32 s28, $0x1;
	[dreg:$0x2] =	wrdreg s5  }
0xab: {  	[dreg:$0x3] =	wrdreg s6  }
0xac: {  	[dreg:$0x4] =	wrdreg $0xC0  }
0xad: {  	_ =	task [dreg:s9], $0x5FFFF  }
0xae: {  	[dreg:$0x1] =	wrdreg $0xFFFFFFFF  }
0xaf: {  	[dreg:$0x0] =	wrdreg $0x60  }
0xb0: {  	[dreg:$0x2] =	wrdreg s19  }
0xb1: {  	[dreg:$0x3] =	wrdreg s2  }
0xb2: {  	[dreg:$0x4] =	wrdreg s4  }
0xb3: {  	[dreg:$0x5] =	wrdreg $0x9  }
0xb4: {  	_ =	task.clear_ibuf [dreg:s9], $0x6FFFF;
	_ =	strace $0x90000046  }
0xb5: {  	s29 =	simm.s32 $0x9;
	_ =	strace $0x80000048  }
0xb6: {  	_ =	swait.ge [sflag:s29], $0x1  }
0xb7: {  	[sflag:s29] =	ssyncadd.s32 $0xFFFFFFFF  }
0xb8: {  	_ =	strace $0x90000048  }
0xb9: {  	_ =	sfence  }
0xba: {  	s30 =	sld [smem:$0x0];
	_ =	sdelay $0x2  }
0xbb: {  	s31 =	sshll.u32 s1, $0xD;
	s1 =	sshrl.u32 s1, $0x2  }
0xbc: {  	s3 =	sand.u32 $0x4000, s31;
	s1 =	sadd.s32 s1, s30  }
0xbd: {  	s0 =	sor.u32 s3, s0;
	s1 =	sshll.u32 s1, $0x11  }
0xbe: {  	s0 =	sor.u32 s1, s0  }
0xbf: {  	s0 =	sadd.s32 $0x8F2B, s0  }
0xc0: {  	[sflag:s0] =	ssyncadd.remote.s32 $0x1  }
0xc1: {  	_ =	sfence.sel $0xFFFF  }
0xc2: {  	[dreg:$0x0] =	wrdreg $0xFFFFFFFF;
	(pc) =	sbr.abs _section_cstart, $3  }
0xc3: {  	[dreg:$0x1] =	wrdreg $0xFFFFFFFF  }
0xc4: {  	_ =	task.clear_ibuf [dreg:s9], $0x2FFFF;
	_ =	strace $0x9FFFFFFF  }
0xc5: {  	(tm) =	ssettm $0x7FFFFFFF  }
tec
execute0_lowered:
.L_overlay_start_1:
0x0: {  	(tag) =	ssettag $0x1  }
0x1: {  	s1 =	rddreg [dreg:$0x0]  }
0x2: {  	s0 =	rddreg [dreg:$0x1]  }
0x3: {  	s3 =	rddreg [dreg:$0x2]  }
0x4: {  	s2 =	srdreg.scid;
	s4 =	simm.s32 $0x0;
	s8 =	stileid.u32  }
0x5: {  	s28 =	simm.s32 $0xDC00;
	s29 =	simm.s32 $0x1;
	s30 =	simm.s32 $0x4000  }
0x6: {  	s31 =	simm.s32 $0x80000;
	s2 =	sand.u32 $0x1, s2;
	[smem:$0x7FF] =	sst s4  }
0x7: {  	s5 =	sshll.u32 s8, $0x8;
	s6 =	sshll.u32 s2, $0x7;
	s7 =	ssub.s32 $0x2, s2  }
0x8: {  	s19 =	sshll.u32 s8, $0xF;
	s5 =	sor.u32 s6, s5;
	s14 =	sshrl.u32 s7, $0x1  }
0x9: {  	_ =	strace $0x80000047;
	s9 =	sadd.s32 s0, s5;
	s16 =	ssub.s32 s7, s14  }
0xa: {  	s15 =	sshll.u32 s5, $0x4;
	[dreg:$0x4] =	wrdreg s9;
	s5 =	smax.u32 s16, $0x1  }
0xb: {  	s8 =	simm.s32 $0x0;
	s18 =	sadd.s32 s3, s15;
	[dreg:$0x8] =	wrdreg s5  }
0xc: {  	s2 =	sshll.u32 s2, $0xE;
	s17 =	sadd.s32 $0x1000, s9;
	[dreg:$0x6] =	wrdreg s18  }
0xd: {  	s15 =	simm.s32 $0x8;
	s0 =	sadd.s32 $0x300000, s18;
	[dreg:$0x5] =	wrdreg s17  }
0xe: {  	s16 =	simm.s32 $0x3;
	s20 =	sadd.s32 $0x20000, s18;
	[dreg:$0x7] =	wrdreg s0  }
0xf: {  	s21 =	sadd.s32 $0x40000, s18;
	s26 =	sadd.s32 $0x5000, s17;
	[dreg:$0x9] =	wrdreg s20  }
0x10: {  	s17 =	simm.s32 $0x15C00;
	s0 =	sor.u32 s2, s19;
	[dreg:$0xa] =	wrdreg s21  }
0x11: {  	[dreg:$0xb] =	wrdreg s26;
	s20 =	simm.s32 $0x80;
	s21 =	simm.s32 $0x1C00  }
0x12: {  	s2 =	simm.s32 $0x11C00;
	s19 =	simm.s32 $0x2;
	s26 =	simm.s32 $0x5  }
0x13: {  	s22 =	sor.u32 $0x500000, s0;
	s23 =	sor.u32 $0x400000, s0;
	s12 =	sor.u32 $0x300000, s0  }
0x14: {  	s0 =	simm.s32 $0x6;
	s24 =	sshrl.u32 s22, $0x3;
	s25 =	sshrl.u32 s23, $0x3  }
0x15: {  	s22 =	simm.s32 $0x5C00;
	s23 =	simm.s32 $0x7;
	s6 =	sadd.s32 s24, s3  }
0x16: {  	s14 =	sadd.s32 s25, s3;
	s25 =	simm.s32 $0x9C00;
	s24 =	simm.s32 $0x4  }
.LBB2_1:
0x17: {  	s5 =	rddreg [dreg:$0x4]  }
0x18: {  	[tilespmem:s4], [sflag:$0x8] =	stream.linear.gather [hbm4b:s5+s4], $0x400, $0x38;
	[tilespmem:$0x19C00] =	vst v63  }
0x19: {  	_ =	swait.ge [sflag:s15], $0x400  }
0x1a: {  	s7 =	simm.s32 $0x8000;
	[sflag:s15] =	ssyncset.done $0x0  }
0x1b: {  	s9 =	simm.s32 $0x400;
	s18 =	rddreg [dreg:$0x5];
	[sflag:s15] =	ssyncadd.s32 $0xFFFFFC00  }
0x1c: {  	[tilespmem:s9], [sflag:$0x7] =	stream.strided.gather [hbm4b:s18+s9], $0x1400, s7, s9, $0x38;
	[tilespmem:$0x19C00] =	vst v63  }
0x1d: {  	s7 =	rddreg [dreg:$0xb];
	s9 =	simm.s32 $0x1800  }
0x1e: {  	[tilespmem:s9], [sflag:$0x7] =	stream.linear.gather [hbm4b:s7+s4], $0x100, $0x38;
	[tilespmem:$0x19C00] =	vst v63  }
0x1f: {  	_ = 	snop  }
0x20: {  	[tilespmem:s21], [sflag:$0x1] =	stream.indirect.gather [hbm4b:s1+s20], $0x80, s4, s20, $0xb8;
	[tilespmem:$0x19C00] =	vst v63  }
0x21: {  	_ = 	snop  }
0x22: {  	[tilespmem:s22], [sflag:$0x1] =	stream.indirect.gather [hbm4b:s1+s20], $0x80, s20, s20, $0xb8;
	[tilespmem:$0x19C00] =	vst v63  }
0x23: {  	_ =	swait.ge [sflag:s23], $0x1500  }
0x24: {  	[sflag:s23] =	ssyncset.done $0x0  }
0x25: {  	s10 =	simm.s32 $0x100;
	[sflag:s23] =	ssyncadd.s32 $0xFFFFEB00  }
0x26: {  	[tilespmem:s25], [sflag:$0x2] =	stream.indirect.gather [hbm4b:s1+s20], $0x80, s10, s20, $0xb8;
	[tilespmem:$0x19C00] =	vst v63  }
0x27: {  	s11 =	simm.s32 $0x180  }
0x28: {  	[tilespmem:s28], [sflag:$0x2] =	stream.indirect.gather [hbm4b:s1+s20], $0x80, s11, s20, $0xb8;
	[tilespmem:$0x19C00] =	vst v63  }
0x29: {  	_ =	swait.ge [sflag:s29], $0x4000  }
0x2a: {  	[sflag:s29] =	ssyncset.done $0x0  }
0x2b: {  	[sflag:s29] =	ssyncadd.s32 $0xFFFFC000  }
0x2c: {  	_ =	swait.ge [sflag:s29], $0x4000  }
0x2d: {  	[sflag:s29] =	ssyncset.done $0x0  }
0x2e: {  	s13 =	rddreg [dreg:$0x6];
	[sflag:s29] =	ssyncadd.s32 $0xFFFFC000  }
0x2f: {  	[hbm4b:s13+s30] =	stream.strided.scatter [tilespmem:s21], [sflag:$0x4], $0x8000, s31, s30, $0x38;
	[tilespmem:$0x19C00] =	vst v63  }
0x30: {  	s18 =	simm.s32 $0x200  }
0x31: {  	[tilespmem:s2], [sflag:$0x3] =	stream.indirect.gather [hbm4b:s1+s20], $0x80, s18, s20, $0xb8;
	[tilespmem:$0x19C00] =	vst v63  }
0x32: {  	s7 =	simm.s32 $0x280  }
0x33: {  	[tilespmem:s17], [sflag:$0x3] =	stream.indirect.gather [hbm4b:s1+s20], $0x80, s7, s20, $0xb8;
	[tilespmem:$0x19C00] =	vst v63  }
0x34: {  	_ =	swait.ge [sflag:s19], $0x4000  }
0x35: {  	[sflag:s19] =	ssyncset.done $0x0  }
0x36: {  	[sflag:s19] =	ssyncadd.s32 $0xFFFFC000  }
0x37: {  	_ =	swait.ge [sflag:s19], $0x4000  }
0x38: {  	[sflag:s19] =	ssyncset.done $0x0  }
0x39: {  	s9 =	rddreg [dreg:$0x9];
	[sflag:s19] =	ssyncadd.s32 $0xFFFFC000  }
0x3a: {  	[hbm4b:s9+s30] =	stream.strided.scatter [tilespmem:s25], [sflag:$0x5], $0x8000, s31, s30, $0x38;
	[tilespmem:$0x19C00] =	vst v63  }
0x3b: {  	_ =	swait.ge [sflag:s24], $0x8000  }
0x3c: {  	[sflag:s24] =	ssyncset.done $0x0  }
0x3d: {  	s10 =	simm.s32 $0x300;
	[sflag:s24] =	ssyncadd.s32 $0xFFFF8000  }
0x3e: {  	[tilespmem:s21], [sflag:$0x1] =	stream.indirect.gather [hbm4b:s1+s20], $0x80, s10, s20, $0xb8;
	[tilespmem:$0x19C00] =	vst v63  }
0x3f: {  	s11 =	simm.s32 $0x380  }
0x40: {  	[tilespmem:s22], [sflag:$0x1] =	stream.indirect.gather [hbm4b:s1+s20], $0x80, s11, s20, $0xb8;
	[tilespmem:$0x19C00] =	vst v63  }
0x41: {  	_ =	swait.ge [sflag:s16], $0x4000  }
0x42: {  	[sflag:s16] =	ssyncset.done $0x0  }
0x43: {  	[sflag:s16] =	ssyncadd.s32 $0xFFFFC000  }
0x44: {  	_ =	swait.ge [sflag:s16], $0x4000  }
0x45: {  	[sflag:s16] =	ssyncset.done $0x0  }
0x46: {  	s13 =	rddreg [dreg:$0xa];
	[sflag:s16] =	ssyncadd.s32 $0xFFFFC000  }
0x47: {  	[hbm4b:s13+s30] =	stream.strided.scatter [tilespmem:s2], [sflag:$0x6], $0x8000, s31, s30, $0x38;
	[tilespmem:$0x19C00] =	vst v63  }
0x48: {  	_ =	swait.ge [sflag:s26], $0x8000  }
0x49: {  	[sflag:s26] =	ssyncset.done $0x0  }
0x4a: {  	s18 =	simm.s32 $0x400;
	[sflag:s26] =	ssyncadd.s32 $0xFFFF8000  }
0x4b: {  	[tilespmem:s25], [sflag:$0x2] =	stream.indirect.gather [hbm4b:s1+s20], $0x80, s18, s20, $0xb8;
	[tilespmem:$0x19C00] =	vst v63  }
0x4c: {  	s7 =	simm.s32 $0x480  }
0x4d: {  	[tilespmem:s28], [sflag:$0x2] =	stream.indirect.gather [hbm4b:s1+s20], $0x80, s7, s20, $0xb8;
	[tilespmem:$0x19C00] =	vst v63  }
0x4e: {  	_ =	swait.ge [sflag:s29], $0x4000  }
0x4f: {  	[sflag:s29] =	ssyncset.done $0x0  }
0x50: {  	[sflag:s29] =	ssyncadd.s32 $0xFFFFC000  }
0x51: {  	_ =	swait.ge [sflag:s29], $0x4000  }
0x52: {  	s9 =	sshrl.u32 s12, $0x3;
	[sflag:s29] =	ssyncset.done $0x0  }
0x53: {  	s5 =	sadd.s32 s3, s9;
	[sflag:s29] =	ssyncadd.s32 $0xFFFFC000  }
0x54: {  	[hbm4b:s5+s30] =	stream.strided.scatter [tilespmem:s21], [sflag:$0x4], $0x8000, s31, s30, $0x38;
	[tilespmem:$0x19C00] =	vst v63  }
0x55: {  	_ =	swait.ge [sflag:s0], $0x8000  }
0x56: {  	[sflag:s0] =	ssyncset.done $0x0  }
0x57: {  	s10 =	simm.s32 $0x500;
	[sflag:s0] =	ssyncadd.s32 $0xFFFF8000  }
0x58: {  	[tilespmem:s2], [sflag:$0x3] =	stream.indirect.gather [hbm4b:s1+s20], $0x80, s10, s20, $0xb8;
	[tilespmem:$0x19C00] =	vst v63  }
0x59: {  	s11 =	simm.s32 $0x580  }
0x5a: {  	[tilespmem:s17], [sflag:$0x3] =	stream.indirect.gather [hbm4b:s1+s20], $0x80, s11, s20, $0xb8;
	[tilespmem:$0x19C00] =	vst v63  }
0x5b: {  	_ =	swait.ge [sflag:s19], $0x4000  }
0x5c: {  	[sflag:s19] =	ssyncset.done $0x0  }
0x5d: {  	[sflag:s19] =	ssyncadd.s32 $0xFFFFC000  }
0x5e: {  	_ =	swait.ge [sflag:s19], $0x4000  }
0x5f: {  	[sflag:s19] =	ssyncset.done $0x0  }
0x60: {  	[sflag:s19] =	ssyncadd.s32 $0xFFFFC000  }
0x61: {  	[hbm4b:s14+s30] =	stream.strided.scatter [tilespmem:s25], [sflag:$0x5], $0x8000, s31, s30, $0x38;
	[tilespmem:$0x19C00] =	vst v63  }
0x62: {  	_ =	swait.ge [sflag:s24], $0x8000  }
0x63: {  	[sflag:s24] =	ssyncset.done $0x0  }
0x64: {  	s13 =	simm.s32 $0x600;
	[sflag:s24] =	ssyncadd.s32 $0xFFFF8000  }
0x65: {  	[tilespmem:s21], [sflag:$0x1] =	stream.indirect.gather [hbm4b:s1+s20], $0x80, s13, s20, $0xb8;
	[tilespmem:$0x19C00] =	vst v63  }
0x66: {  	s18 =	simm.s32 $0x680  }
0x67: {  	[tilespmem:s22], [sflag:$0x1] =	stream.indirect.gather [hbm4b:s1+s20], $0x80, s18, s20, $0xb8;
	[tilespmem:$0x19C00] =	vst v63  }
0x68: {  	_ =	swait.ge [sflag:s16], $0x4000  }
0x69: {  	[sflag:s16] =	ssyncset.done $0x0  }
0x6a: {  	[sflag:s16] =	ssyncadd.s32 $0xFFFFC000  }
0x6b: {  	s9 =	simm.s32 $0xC00;
	_ =	swait.ge [sflag:s16], $0x4000  }
0x6c: {  	s5 =	sadd.s32 $0x60000, s14;
	s10 =	sadd.s32 $0x300000, s12;
	[sflag:s16] =	ssyncset.done $0x0  }
0x6d: {  	s11 =	sadd.s32 $0x60000, s6;
	s13 =	smov.u32 s6;
	[sflag:s16] =	ssyncadd.s32 $0xFFFFC000  }
.LBB2_2:
0x6e: {  	[hbm4b:s13+s30] =	stream.strided.scatter [tilespmem:s2], [sflag:$0x6], $0x8000, s31, s30, $0x38;
	[tilespmem:$0x19C00] =	vst v63  }
0x6f: {  	s18 =	smov.u32 s9;
	s13 =	smov.u32 s11  }
0x70: {  	p0 =	sne.s32 s9, $0x4800;
	s9 =	sadd.s32 $0xC00, s9;
	_ =	swait.ge [sflag:s26], $0x8000  }
0x71: {  	s18 =	sshra.s32 s18, $0x2;
	[sflag:s26] =	ssyncset.done $0x0  }
0x72: {  	s7 =	sadd.s32 $0x400, s18;
	[sflag:s26] =	ssyncadd.s32 $0xFFFF8000  }
0x73: {  	[tilespmem:s25], [sflag:$0x2] =	stream.indirect.gather [hbm4b:s1+s20], $0x80, s7, s20, $0xb8;
	[tilespmem:$0x19C00] =	vst v63  }
0x74: {  	s7 =	sadd.s32 $0x480, s18  }
0x75: {  	[tilespmem:s28], [sflag:$0x2] =	stream.indirect.gather [hbm4b:s1+s20], $0x80, s7, s20, $0xb8;
	[tilespmem:$0x19C00] =	vst v63  }
0x76: {  	_ =	swait.ge [sflag:s29], $0x4000  }
0x77: {  	[sflag:s29] =	ssyncset.done $0x0  }
0x78: {  	[sflag:s29] =	ssyncadd.s32 $0xFFFFC000  }
0x79: {  	_ =	swait.ge [sflag:s29], $0x4000  }
0x7a: {  	s7 =	sshrl.u32 s10, $0x3;
	[sflag:s29] =	ssyncset.done $0x0  }
0x7b: {  	s7 =	sadd.s32 s3, s7;
	[sflag:s29] =	ssyncadd.s32 $0xFFFFC000  }
0x7c: {  	[hbm4b:s7+s30] =	stream.strided.scatter [tilespmem:s21], [sflag:$0x4], $0x8000, s31, s30, $0x38;
	[tilespmem:$0x19C00] =	vst v63  }
0x7d: {  	_ =	swait.ge [sflag:s0], $0x8000  }
0x7e: {  	[sflag:s0] =	ssyncset.done $0x0  }
0x7f: {  	s7 =	sadd.s32 $0x500, s18;
	[sflag:s0] =	ssyncadd.s32 $0xFFFF8000  }
0x80: {  	[tilespmem:s2], [sflag:$0x3] =	stream.indirect.gather [hbm4b:s1+s20], $0x80, s7, s20, $0xb8;
	[tilespmem:$0x19C00] =	vst v63  }
0x81: {  	s7 =	sadd.s32 $0x580, s18  }
0x82: {  	[tilespmem:s17], [sflag:$0x3] =	stream.indirect.gather [hbm4b:s1+s20], $0x80, s7, s20, $0xb8;
	[tilespmem:$0x19C00] =	vst v63  }
0x83: {  	_ =	swait.ge [sflag:s19], $0x4000  }
0x84: {  	[sflag:s19] =	ssyncset.done $0x0  }
0x85: {  	[sflag:s19] =	ssyncadd.s32 $0xFFFFC000  }
0x86: {  	_ =	swait.ge [sflag:s19], $0x4000  }
0x87: {  	[sflag:s19] =	ssyncset.done $0x0  }
0x88: {  	[sflag:s19] =	ssyncadd.s32 $0xFFFFC000  }
0x89: {  	[hbm4b:s5+s30] =	stream.strided.scatter [tilespmem:s25], [sflag:$0x5], $0x8000, s31, s30, $0x38;
	[tilespmem:$0x19C00] =	vst v63  }
0x8a: {  	_ =	swait.ge [sflag:s24], $0x8000  }
0x8b: {  	[sflag:s24] =	ssyncset.done $0x0  }
0x8c: {  	s7 =	sadd.s32 $0x600, s18;
	[sflag:s24] =	ssyncadd.s32 $0xFFFF8000  }
0x8d: {  	[tilespmem:s21], [sflag:$0x1] =	stream.indirect.gather [hbm4b:s1+s20], $0x80, s7, s20, $0xb8;
	[tilespmem:$0x19C00] =	vst v63  }
0x8e: {  	s7 =	sadd.s32 $0x680, s18  }
0x8f: {  	[tilespmem:s22], [sflag:$0x1] =	stream.indirect.gather [hbm4b:s1+s20], $0x80, s7, s20, $0xb8;
	[tilespmem:$0x19C00] =	vst v63  }
0x90: {  	_ =	swait.ge [sflag:s16], $0x4000  }
.Ltmp0:
0x91: {  	[sflag:s16] =	ssyncset.done $0x0;
	(pc) =	sbr.rel @p0 .LBB2_2-.Ltmp0, $4  }
0x92: {  	[sflag:s16] =	ssyncadd.s32 $0xFFFFC000  }
0x93: {  	_ =	swait.ge [sflag:s16], $0x4000  }
0x94: {  	s5 =	sadd.s32 $0x60000, s5;
	[sflag:s16] =	ssyncset.done $0x0  }
0x95: {  	s11 =	sadd.s32 $0x60000, s11;
	s10 =	sadd.s32 $0x300000, s10;
	[sflag:s16] =	ssyncadd.s32 $0xFFFFC000  }
0x96: {  	[hbm4b:s13+s30] =	stream.strided.scatter [tilespmem:s2], [sflag:$0x6], $0x8000, s31, s30, $0x38;
	[tilespmem:$0x19C00] =	vst v63  }
0x97: {  	_ =	swait.ge [sflag:s29], $0x4000  }
0x98: {  	[sflag:s29] =	ssyncset.done $0x0  }
0x99: {  	[sflag:s29] =	ssyncadd.s32 $0xFFFFC000  }
0x9a: {  	_ =	swait.ge [sflag:s29], $0x4000  }
0x9b: {  	[sflag:s29] =	ssyncset.done $0x0  }
0x9c: {  	s5 =	rddreg [dreg:$0x7];
	[sflag:s29] =	ssyncadd.s32 $0xFFFFC000  }
0x9d: {  	[hbm4b:s5+s30] =	stream.strided.scatter [tilespmem:s21], [sflag:$0x4], $0x8000, s31, s30, $0x38;
	[tilespmem:$0x19C00] =	vst v63  }
0x9e: {  	_ =	swait.ge [sflag:s26], $0x8000  }
0x9f: {  	[sflag:s26] =	ssyncset.done $0x0  }
0xa0: {  	[sflag:s26] =	ssyncadd.s32 $0xFFFF8000  }
0xa1: {  	_ =	swait.ge [sflag:s0], $0x8000  }
0xa2: {  	[sflag:s0] =	ssyncset.done $0x0  }
0xa3: {  	[sflag:s0] =	ssyncadd.s32 $0xFFFF8000  }
0xa4: {  	_ =	swait.ge [sflag:s24], $0x8000  }
0xa5: {  	s8 =	sadd.s32 $0x1, s8;
	s18 =	rddreg [dreg:$0x8]  }
0xa6: {  	p0 =	sne.s32 s8, s18  }
.Ltmp1:
0xa7: {  	_ = 	snop;
	(pc) =	sbr.rel @p0 .LBB2_1-.Ltmp1, $3  }
0xa8: {  	_ =	sdelay $0x1  }
0xa9: {  	[sflag:s24] =	ssyncset.done $0x0  }
0xaa: {  	[sflag:s24] =	ssyncadd.s32 $0xFFFF8000  }
0xab: {  	_ =	sfence.sel $0x180000  }
0xac: {  	[bflag:$0x0] =	sbarrier.arrive $0xFFFF  }
0xad: {  	_ =	strace $0x90000047  }
0xae: {  	s0 =	stileid.u32;
	[bflag:$0x2] =	sbarrier.arrive $0xFFFF  }
0xaf: {  	p0 =	sne.s32 s0, $0x0;
	s0 =	rddreg [dreg:$0x3]  }
0xb0: {  	s0 =	sadd.s32 @!p0 $0x100000, s0  }
0xb1: {  	[sflag:s0] =	ssyncadd.tile.s32 @!p0 $0x1;
	_ =	shalt  }
.Lfunc_end2:
_tile_overlayer_lowered:
.L_overlay_start_2:
0xb2: {  	(tag) =	ssettag $0x2  }
0xb3: {  	s0 =	rddreg [dreg:$0x0];
	s2 =	stileid.u32  }
0xb4: {  	s1 =	rddreg [dreg:$0x1];
	p0 =	sne.s32 s2, $0x0  }
0xb5: {  	s3 =	rddreg [dreg:$0x2];
	[bflag:$0x3] =	sbarrier.arrive $0xFFFF;
	s2 =	simm.s32 @!p0 $0x1C08  }
0xb6: {  	[timem:s3], [sflag:s2] =	dma.local @!p0 [hbm:s0], s1  }
0xb7: {  	s0 =	simm.s32 @!p0 $0x8  }
0xb8: {  	_ =	swait.ge @!p0 [sflag:s0], s1  }
0xb9: {  	s1 =	ssub.s32 @!p0 $0x0, s1;
	[sflag:s0] =	ssyncset.done @!p0 $0x0  }
0xba: {  	[sflag:s0] =	ssyncadd.s32 @!p0 s1  }
0xbb: {  	[bflag:$0x3] =	sbarrier.arrive $0xFFFF  }
0xbc: {  	_ =	shalt  }

</sc_bundles>
